<compile_context>
chip_gen: v7x
topology: tpu7x:2x2x1
jax: 0.10.2.dev20260603
libtpu: 0.0.44.dev20260713+nightly
codegen_flags: <defaults>
</compile_context>

<pallas_src>
import functools

import jax
import jax.numpy as jnp
from jax import lax
from jax.experimental import pallas as pl
from jax.experimental.pallas import tpu as pltpu
from jax.experimental.pallas import tpu_sc as plsc

N = 10000
E = 320000
D_IN = 128
D_H = 64

NC = 2
NS = 16
NW = NC * NS
BB = 128
KB = (E + NW * BB - 1) // (NW * BB)
KB = KB + (KB % 2)
E_PAD = NW * KB * BB
ROWS_PER_TILE = 632
N_ACC = NS * ROWS_PER_TILE
DEG_W = 16


def _sc_segsum_body(with_deg, *refs):
    if with_deg:
        (val_hbm, srcb_hbm, dstb_hbm, z64_hbm, z16_hbm, ones_hbm,
         out_hbm, deg_hbm,
         idx_s, idx_d, buf0, buf1, sem0, sem1, acc, ones_v, dacc) = refs
    else:
        (val_hbm, srcb_hbm, dstb_hbm, z64_hbm,
         out_hbm,
         idx_s, idx_d, buf0, buf1, sem0, sem1, acc) = refs

    c = lax.axis_index("c")
    s = lax.axis_index("s")
    wid = s * NC + c
    r0 = s * ROWS_PER_TILE

    pltpu.sync_copy(z64_hbm.at[pl.ds(r0, ROWS_PER_TILE)],
                    acc.at[pl.ds(r0, ROWS_PER_TILE)])
    if with_deg:
        pltpu.sync_copy(z16_hbm.at[pl.ds(r0, ROWS_PER_TILE)],
                        dacc.at[pl.ds(r0, ROWS_PER_TILE)])
        pltpu.sync_copy(ones_hbm, ones_v)

    rb0 = wid * KB
    pltpu.sync_copy(srcb_hbm.at[pl.ds(rb0, KB)], idx_s)
    pltpu.sync_copy(dstb_hbm.at[pl.ds(rb0, KB)], idx_d)

    plsc.subcore_barrier()

    bufs = (buf0, buf1)
    sems = (sem0, sem1)
    pltpu.async_copy(val_hbm.at[idx_s.at[0]], buf0, sem0)
    pltpu.async_copy(val_hbm.at[idx_s.at[1]], buf1, sem1)

    def step(i, carry):
        j2 = i * 2
        for b in range(2):
            j = j2 + b
            pltpu.make_async_copy(val_hbm.at[idx_s.at[j]], bufs[b], sems[b]).wait()
            nxt = j + 2

            @pl.when(nxt < KB)
            def _():
                pltpu.async_copy(val_hbm.at[idx_s.at[nxt]], bufs[b], sems[b])

            pltpu.sync_copy(bufs[b], acc.at[idx_d.at[j]], add=True)
            if with_deg:
                pltpu.sync_copy(ones_v, dacc.at[idx_d.at[j]], add=True)
        return carry

    lax.fori_loop(0, KB // 2, step, 0)

    plsc.subcore_barrier()

    pltpu.sync_copy(acc.at[pl.ds(r0, ROWS_PER_TILE)],
                    out_hbm.at[c, pl.ds(r0, ROWS_PER_TILE)])
    if with_deg:
        pltpu.sync_copy(dacc.at[pl.ds(r0, ROWS_PER_TILE)],
                        deg_hbm.at[c, pl.ds(r0, ROWS_PER_TILE)])


def _make_sc_pass(with_deg):
    out_type = [jax.ShapeDtypeStruct((NC, N_ACC, D_H), jnp.float32)]
    scratch = [
        pltpu.VMEM((KB, BB), jnp.int32),
        pltpu.VMEM((KB, BB), jnp.int32),
        pltpu.VMEM((BB, D_H), jnp.float32),
        pltpu.VMEM((BB, D_H), jnp.float32),
        pltpu.SemaphoreType.DMA,
        pltpu.SemaphoreType.DMA,
        pltpu.VMEM_SHARED((N_ACC, D_H), jnp.float32),
    ]
    if with_deg:
        out_type.append(jax.ShapeDtypeStruct((NC, N_ACC, DEG_W), jnp.float32))
        scratch += [
            pltpu.VMEM((BB, DEG_W), jnp.float32),
            pltpu.VMEM_SHARED((N_ACC, DEG_W), jnp.float32),
        ]
    mesh = plsc.VectorSubcoreMesh(core_axis_name="c", subcore_axis_name="s",
                                  num_cores=NC, num_subcores=NS)
    return pl.kernel(
        functools.partial(_sc_segsum_body, with_deg),
        out_type=tuple(out_type) if with_deg else out_type[0],
        mesh=mesh,
        scratch_types=tuple(scratch),
        compiler_params=pltpu.CompilerParams(use_tc_tiling_on_sc=False),
    )



BM = 2000


def _enc1_body(x_ref, wnb_ref, wself_ref, b_ref, p_ref, s_ref):
    xb = x_ref[...]
    p_ref[...] = jnp.dot(xb, wnb_ref[...], preferred_element_type=jnp.float32)
    s_ref[...] = (jnp.dot(xb, wself_ref[...], preferred_element_type=jnp.float32)
                  + b_ref[...])


def _mid_body(aggp_ref, degp_ref, s1_ref, wnb_ref, wself_ref, b_ref,
              p2_ref, s2_ref, d_ref):
    a = aggp_ref[0] + aggp_ref[1]
    d = (degp_ref[0] + degp_ref[1])[:, 0:1]
    h = jnp.maximum(a / jnp.maximum(d, 1.0) + s1_ref[...], 0.0)
    p2_ref[...] = jnp.dot(h, wnb_ref[...], preferred_element_type=jnp.float32)
    s2_ref[...] = (jnp.dot(h, wself_ref[...], preferred_element_type=jnp.float32)
                   + b_ref[...])
    d_ref[...] = d


def _dec_body(aggp_ref, d_ref, s2_ref, wsnb_ref, wsself_ref, bs_ref,
              wd_ref, bd_ref, p3_ref, s3_ref, xr_ref):
    a = aggp_ref[0] + aggp_ref[1]
    h = jnp.maximum(a / jnp.maximum(d_ref[...], 1.0) + s2_ref[...], 0.0)
    p3_ref[...] = jnp.dot(h, wsnb_ref[...], preferred_element_type=jnp.float32)
    s3_ref[...] = (jnp.dot(h, wsself_ref[...], preferred_element_type=jnp.float32)
                   + bs_ref[...])
    xr_ref[...] = (jnp.dot(h, wd_ref[...], preferred_element_type=jnp.float32)
                   + bd_ref[...])


def _hs_body(aggp_ref, d_ref, s3_ref, hs_ref):
    a = aggp_ref[0] + aggp_ref[1]
    hs_ref[...] = jnp.maximum(a / jnp.maximum(d_ref[...], 1.0) + s3_ref[...], 0.0)


BG = 1024


def _gram_body(a_ref, b_ref, out_ref):
    out_ref[...] = lax.dot_general(
        a_ref[...], b_ref[...], (((1,), (1,)), ((), ())),
        preferred_element_type=jnp.float32)


def _row_spec(width):
    return pl.BlockSpec((BM, width), lambda i: (i, 0))


def _agg_spec(width):
    return pl.BlockSpec((NC, BM, width), lambda i: (0, i, 0))


def _full_spec(shape):
    nd = len(shape)
    return pl.BlockSpec(shape, lambda i: (0,) * nd)


_GRID = (N // BM,)


def kernel(x, edge_index, W1_nb, W1_self, b1, W2_nb, W2_self, b2,
           Wd, bd, Ws_nb, Ws_self, bs):
    src = edge_index[0].astype(jnp.int32)
    dst = edge_index[1].astype(jnp.int32)
    pad = E_PAD - E
    srcb = jnp.concatenate([src, jnp.zeros((pad,), jnp.int32)]).reshape(-1, BB)
    dstb = jnp.concatenate([dst, jnp.full((pad,), N, jnp.int32)]).reshape(-1, BB)
    z64 = jnp.zeros((N_ACC, D_H), jnp.float32)
    z16 = jnp.zeros((N_ACC, DEG_W), jnp.float32)
    ones_col = jnp.zeros((BB, DEG_W), jnp.float32).at[:, 0].set(1.0)

    sc_pass1 = _make_sc_pass(True)
    sc_pass = _make_sc_pass(False)

    p1, s1 = pl.pallas_call(
        _enc1_body,
        grid=_GRID,
        in_specs=[_row_spec(D_IN), _full_spec((D_IN, D_H)),
                  _full_spec((D_IN, D_H)), _full_spec((D_H,))],
        out_specs=[_row_spec(D_H), _row_spec(D_H)],
        out_shape=[jax.ShapeDtypeStruct((N, D_H), jnp.float32)] * 2,
    )(x, W1_nb, W1_self, b1)

    agg1, degp = sc_pass1(p1, srcb, dstb, z64, z16, ones_col)

    p2, s2, dcol = pl.pallas_call(
        _mid_body,
        grid=_GRID,
        in_specs=[_agg_spec(D_H), _agg_spec(DEG_W), _row_spec(D_H),
                  _full_spec((D_H, D_H)), _full_spec((D_H, D_H)),
                  _full_spec((D_H,))],
        out_specs=[_row_spec(D_H), _row_spec(D_H), _row_spec(1)],
        out_shape=[jax.ShapeDtypeStruct((N, D_H), jnp.float32),
                   jax.ShapeDtypeStruct((N, D_H), jnp.float32),
                   jax.ShapeDtypeStruct((N, 1), jnp.float32)],
    )(agg1, degp, s1, W2_nb, W2_self, b2)

    agg2 = sc_pass(p2, srcb, dstb, z64)

    p3, s3, x_ = pl.pallas_call(
        _dec_body,
        grid=_GRID,
        in_specs=[_agg_spec(D_H), _row_spec(1), _row_spec(D_H),
                  _full_spec((D_H, D_H)), _full_spec((D_H, D_H)),
                  _full_spec((D_H,)), _full_spec((D_H, D_IN)),
                  _full_spec((D_IN,))],
        out_specs=[_row_spec(D_H), _row_spec(D_H), _row_spec(D_IN)],
        out_shape=[jax.ShapeDtypeStruct((N, D_H), jnp.float32),
                   jax.ShapeDtypeStruct((N, D_H), jnp.float32),
                   jax.ShapeDtypeStruct((N, D_IN), jnp.float32)],
    )(agg2, dcol, s2, Ws_nb, Ws_self, bs, Wd, bd)

    agg3 = sc_pass(p3, srcb, dstb, z64)

    hs = pl.pallas_call(
        _hs_body,
        grid=_GRID,
        in_specs=[_agg_spec(D_H), _row_spec(1), _row_spec(D_H)],
        out_specs=_row_spec(D_H),
        out_shape=jax.ShapeDtypeStruct((N, D_H), jnp.float32),
    )(agg3, dcol, s3)

    ng = (N + BG - 1) // BG
    s_ = pl.pallas_call(
        _gram_body,
        grid=(ng, ng),
        in_specs=[pl.BlockSpec((BG, D_H), lambda i, j: (i, 0)),
                  pl.BlockSpec((BG, D_H), lambda i, j: (j, 0))],
        out_specs=pl.BlockSpec((BG, BG), lambda i, j: (i, j)),
        out_shape=jax.ShapeDtypeStruct((N, N), jnp.float32),
    )(hs, hs)

    return (x_, s_)

# --- scband reference (transcript-rebuilt; emitter-appended) ---
"""Pipeline reference for scband-ckgdominantbase-36661840838849 (READ-ONLY COPY).

The authoritative reference and input builder live on the scoring server;
editing this copy changes nothing except your own understanding.
"""

import jax, jax.numpy as jnp
import numpy as np

N = 10000
E = 320000
D_IN = 128
D_H = 64


def _conv(x, src, dst, W_nb, W_self, b):
    # CKGConv-style message passing approximated as mean-aggregation graph conv
    n = x.shape[0]
    m = x[src]  # gather source node features along edges
    agg = jax.ops.segment_sum(m, dst, num_segments=n)  # scatter-add to dst
    deg = jax.ops.segment_sum(jnp.ones((src.shape[0], 1), x.dtype), dst, num_segments=n)
    agg = agg / jnp.clip(deg, 1.0, None)
    return agg @ W_nb + x @ W_self + b


def setup_inputs(seed: int = 0) -> dict:
    key = jax.random.key(seed)
    ks = jax.random.split(key, 14)
    inp = {}
    inp["x"] = jax.random.normal(ks[0], (N, D_IN), dtype=jnp.float32)
    inp["edge_index"] = jax.random.randint(ks[1], (2, E), 0, N)
    # encoder layer 1 (in_dim -> hid_dim)
    inp["W1_nb"] = jax.random.normal(ks[2], (D_IN, D_H), dtype=jnp.float32) / np.sqrt(D_IN)
    inp["W1_self"] = jax.random.normal(ks[3], (D_IN, D_H), dtype=jnp.float32) / np.sqrt(D_IN)
    inp["b1"] = jnp.zeros((D_H,), dtype=jnp.float32)
    # encoder layer 2 (hid_dim -> hid_dim)
    inp["W2_nb"] = jax.random.normal(ks[4], (D_H, D_H), dtype=jnp.float32) / np.sqrt(D_H)
    inp["W2_self"] = jax.random.normal(ks[5], (D_H, D_H), dtype=jnp.float32) / np.sqrt(D_H)
    inp["b2"] = jnp.zeros((D_H,), dtype=jnp.float32)
    # attribute decoder (hid_dim -> in_dim)
    inp["Wd"] = jax.random.normal(ks[6], (D_H, D_IN), dtype=jnp.float32) / np.sqrt(D_H)
    inp["bd"] = jnp.zeros((D_IN,), dtype=jnp.float32)
    # struct decoder conv layer (hid_dim -> hid_dim), followed by h @ h.T
    inp["Ws_nb"] = jax.random.normal(ks[7], (D_H, D_H), dtype=jnp.float32) / np.sqrt(D_H)
    inp["Ws_self"] = jax.random.normal(ks[8], (D_H, D_H), dtype=jnp.float32) / np.sqrt(D_H)
    inp["bs"] = jnp.zeros((D_H,), dtype=jnp.float32)
    return inp


def reference(x, edge_index, W1_nb, W1_self, b1, W2_nb, W2_self, b2, Wd, bd, Ws_nb, Ws_self, bs):
    src = edge_index[0]
    dst = edge_index[1]
    # encoder: num_layers // 2 = 2 conv layers with act (relu) and dropout(p=0 -> identity)
    h = jax.nn.relu(_conv(x, src, dst, W1_nb, W1_self, b1))
    h = jax.nn.relu(_conv(h, src, dst, W2_nb, W2_self, b2))
    # attribute decoder: Linear(hid_dim -> in_dim)
    x_ = h @ Wd + bd
    # DotProductDecoder: max(1, decoder_layers-1)=1 conv layer, then s_ = hs @ hs.T (sigmoid_s=False)
    hs = jax.nn.relu(_conv(h, src, dst, Ws_nb, Ws_self, bs))
    s_ = hs @ hs.T
    return (x_, s_)

if __name__ == "__main__":
    import jax
    _d = setup_inputs()
    print(jax.jit(kernel)(*tuple(_d.values())))

</pallas_src>

<mosaic_0001>
#map = affine_map<(d0, d1) -> (0, 0)>
#map1 = affine_map<(d0, d1) -> (0, 0, 0)>
module attributes {stable_mosaic.version = 14 : i64} {
  func.func @_sc_segsum_body(%arg0: i32, %arg1: i32, %arg2: memref<10000x64xf32, #tpu.memory_space<hbm>>, %arg3: memref<2560x128xi32, #tpu.memory_space<hbm>>, %arg4: memref<2560x128xi32, #tpu.memory_space<hbm>>, %arg5: memref<10112x64xf32, #tpu.memory_space<hbm>>, %arg6: memref<2x10112x64xf32, #tpu.memory_space<hbm>>, %arg7: memref<80x128xi32, #tpu.memory_space<vmem>>, %arg8: memref<80x128xi32, #tpu.memory_space<vmem>>, %arg9: memref<128x64xf32, #tpu.memory_space<vmem>>, %arg10: memref<128x64xf32, #tpu.memory_space<vmem>>, %arg11: memref<!tpu.dma_semaphore, #tpu.memory_space<semaphore_mem>>, %arg12: memref<!tpu.dma_semaphore, #tpu.memory_space<semaphore_mem>>, %arg13: memref<10112x64xf32, #tpu.memory_space<vmem_shared>>) attributes {dimension_semantics = [#tpu.dimension_semantics<core_parallel>, #tpu.dimension_semantics<subcore_parallel>], iteration_bounds = array<i64: 2, 16>, scalar_prefetch = 0 : i64, scratch_operands = 7 : i64, tpu.core_type = #tpu.core_type<sc_vector_subcore>, window_params = [{transform_indices = #map}, {transform_indices = #map}, {transform_indices = #map}, {transform_indices = #map}, {transform_indices = #map1}]} {
    %mul3A = arith.constant 2 : i32
    %mul3A_0 = arith.muli %arg1, %mul3A : i32
    %add3A = arith.addi %mul3A_0, %arg0 : i32
    %mul3A_1 = arith.constant 632 : i32
    %mul3A_2 = arith.muli %arg1, %mul3A_1 : i32
    "tpu.region"() ({
      %run_scoped3A = tpu.sem_alloc : memref<!tpu.dma_semaphore, #tpu.memory_space<semaphore_mem>>
      %dma_start3A_24 = arith.constant 0 : i32
      %dma_start3A_25 = tpu.memref_slice %arg13[%mul3A_2, %dma_start3A_24] : memref<10112x64xf32, #tpu.memory_space<vmem_shared>> -> memref<632x64xf32, #tpu.memory_space<vmem_shared>>
      %dma_start3A_26 = arith.constant 0 : i32
      %dma_start3A_27 = tpu.memref_slice %arg5[%mul3A_2, %dma_start3A_26] : memref<10112x64xf32, #tpu.memory_space<hbm>> -> memref<632x64xf32, #tpu.memory_space<hbm>>
      tpu.enqueue_dma source(%dma_start3A_27 : memref<632x64xf32, #tpu.memory_space<hbm>>) target(%dma_start3A_25 : memref<632x64xf32, #tpu.memory_space<vmem_shared>>) target_semaphore(%run_scoped3A : memref<!tpu.dma_semaphore, #tpu.memory_space<semaphore_mem>>)
      %dma_wait3A = arith.constant 0 : i32
      %dma_wait3A_28 = tpu.memref_slice %arg13[%mul3A_2, %dma_wait3A] : memref<10112x64xf32, #tpu.memory_space<vmem_shared>> -> memref<632x64xf32, #tpu.memory_space<vmem_shared>>
      %dma_wait3A_29 = arith.constant 0 : i32
      %dma_wait3A_30 = tpu.memref_slice %arg5[%mul3A_2, %dma_wait3A_29] : memref<10112x64xf32, #tpu.memory_space<hbm>> -> memref<632x64xf32, #tpu.memory_space<hbm>>
      tpu.wait_dma2 semaphore(%run_scoped3A : memref<!tpu.dma_semaphore, #tpu.memory_space<semaphore_mem>>) src(%dma_wait3A_30 : memref<632x64xf32, #tpu.memory_space<hbm>>) dst(%dma_wait3A_28 : memref<632x64xf32, #tpu.memory_space<vmem_shared>>)
      tpu.yield
    }) : () -> ()
    %mul3A_3 = arith.constant 80 : i32
    %mul3A_4 = arith.muli %add3A, %mul3A_3 : i32
    "tpu.region"() ({
      %run_scoped3A = tpu.sem_alloc : memref<!tpu.dma_semaphore, #tpu.memory_space<semaphore_mem>>
      %dma_start3A_24 = arith.constant 0 : i32
      %dma_start3A_25 = tpu.memref_slice %arg3[%mul3A_4, %dma_start3A_24] : memref<2560x128xi32, #tpu.memory_space<hbm>> -> memref<80x128xi32, #tpu.memory_space<hbm>>
      %dma_start3A_26 = arith.constant 0 : i32
      %dma_start3A_27 = tpu.memref_slice %arg3[%mul3A_4, %dma_start3A_26] : memref<2560x128xi32, #tpu.memory_space<hbm>> -> memref<80x128xi32, #tpu.memory_space<hbm>>
      tpu.enqueue_dma source(%dma_start3A_27 : memref<80x128xi32, #tpu.memory_space<hbm>>) target(%arg7 : memref<80x128xi32, #tpu.memory_space<vmem>>) target_semaphore(%run_scoped3A : memref<!tpu.dma_semaphore, #tpu.memory_space<semaphore_mem>>)
      %dma_wait3A = arith.constant 0 : i32
      %dma_wait3A_28 = tpu.memref_slice %arg3[%mul3A_4, %dma_wait3A] : memref<2560x128xi32, #tpu.memory_space<hbm>> -> memref<80x128xi32, #tpu.memory_space<hbm>>
      %dma_wait3A_29 = arith.constant 0 : i32
      %dma_wait3A_30 = tpu.memref_slice %arg3[%mul3A_4, %dma_wait3A_29] : memref<2560x128xi32, #tpu.memory_space<hbm>> -> memref<80x128xi32, #tpu.memory_space<hbm>>
      tpu.wait_dma2 semaphore(%run_scoped3A : memref<!tpu.dma_semaphore, #tpu.memory_space<semaphore_mem>>) src(%dma_wait3A_30 : memref<80x128xi32, #tpu.memory_space<hbm>>) dst(%arg7 : memref<80x128xi32, #tpu.memory_space<vmem>>)
      tpu.yield
    }) : () -> ()
    "tpu.region"() ({
      %run_scoped3A = tpu.sem_alloc : memref<!tpu.dma_semaphore, #tpu.memory_space<semaphore_mem>>
      %dma_start3A_24 = arith.constant 0 : i32
      %dma_start3A_25 = tpu.memref_slice %arg4[%mul3A_4, %dma_start3A_24] : memref<2560x128xi32, #tpu.memory_space<hbm>> -> memref<80x128xi32, #tpu.memory_space<hbm>>
      %dma_start3A_26 = arith.constant 0 : i32
      %dma_start3A_27 = tpu.memref_slice %arg4[%mul3A_4, %dma_start3A_26] : memref<2560x128xi32, #tpu.memory_space<hbm>> -> memref<80x128xi32, #tpu.memory_space<hbm>>
      tpu.enqueue_dma source(%dma_start3A_27 : memref<80x128xi32, #tpu.memory_space<hbm>>) target(%arg8 : memref<80x128xi32, #tpu.memory_space<vmem>>) target_semaphore(%run_scoped3A : memref<!tpu.dma_semaphore, #tpu.memory_space<semaphore_mem>>)
      %dma_wait3A = arith.constant 0 : i32
      %dma_wait3A_28 = tpu.memref_slice %arg4[%mul3A_4, %dma_wait3A] : memref<2560x128xi32, #tpu.memory_space<hbm>> -> memref<80x128xi32, #tpu.memory_space<hbm>>
      %dma_wait3A_29 = arith.constant 0 : i32
      %dma_wait3A_30 = tpu.memref_slice %arg4[%mul3A_4, %dma_wait3A_29] : memref<2560x128xi32, #tpu.memory_space<hbm>> -> memref<80x128xi32, #tpu.memory_space<hbm>>
      tpu.wait_dma2 semaphore(%run_scoped3A : memref<!tpu.dma_semaphore, #tpu.memory_space<semaphore_mem>>) src(%dma_wait3A_30 : memref<80x128xi32, #tpu.memory_space<hbm>>) dst(%arg8 : memref<80x128xi32, #tpu.memory_space<vmem>>)
      tpu.yield
    }) : () -> ()
    %barrier3A = arith.constant 0 : index
    tpu.barrier barrier_id(%barrier3A)
    %dma_start3A = arith.constant 0 : i32
    %dma_start3A_5 = arith.constant 0 : i32
    %dma_start3A_6 = tpu.memref_slice %arg7[%dma_start3A, %dma_start3A_5] : memref<80x128xi32, #tpu.memory_space<vmem>> -> memref<1x128xi32, #tpu.memory_space<vmem>>
    %dma_start3A_7 = tpu.memref_squeeze %dma_start3A_6 : memref<1x128xi32, #tpu.memory_space<vmem>> -> memref<128xi32, #tpu.memory_space<vmem>>
    %dma_start3A_8 = arith.constant 0 : i32
    %dma_start3A_9 = arith.constant 0 : i32
    %dma_start3A_10 = tpu.memref_slice %arg2[%dma_start3A_8, %dma_start3A_9] : memref<10000x64xf32, #tpu.memory_space<hbm>> -> memref<10000x64xf32, #tpu.memory_space<hbm>>
    tpu.enqueue_indirect_dma source(%dma_start3A_10 : memref<10000x64xf32, #tpu.memory_space<hbm>>) target(%arg9 : memref<128x64xf32, #tpu.memory_space<vmem>>) offsets(%dma_start3A_7 : memref<128xi32, #tpu.memory_space<vmem>>) semaphore(%arg11 : memref<!tpu.dma_semaphore, #tpu.memory_space<semaphore_mem>>)
    %dma_start3A_11 = arith.constant 1 : i32
    %dma_start3A_12 = arith.constant 0 : i32
    %dma_start3A_13 = tpu.memref_slice %arg7[%dma_start3A_11, %dma_start3A_12] : memref<80x128xi32, #tpu.memory_space<vmem>> -> memref<1x128xi32, #tpu.memory_space<vmem>>
    %dma_start3A_14 = tpu.memref_squeeze %dma_start3A_13 : memref<1x128xi32, #tpu.memory_space<vmem>> -> memref<128xi32, #tpu.memory_space<vmem>>
    %dma_start3A_15 = arith.constant 0 : i32
    %dma_start3A_16 = arith.constant 0 : i32
    %dma_start3A_17 = tpu.memref_slice %arg2[%dma_start3A_15, %dma_start3A_16] : memref<10000x64xf32, #tpu.memory_space<hbm>> -> memref<10000x64xf32, #tpu.memory_space<hbm>>
    tpu.enqueue_indirect_dma source(%dma_start3A_17 : memref<10000x64xf32, #tpu.memory_space<hbm>>) target(%arg10 : memref<128x64xf32, #tpu.memory_space<vmem>>) offsets(%dma_start3A_14 : memref<128xi32, #tpu.memory_space<vmem>>) semaphore(%arg12 : memref<!tpu.dma_semaphore, #tpu.memory_space<semaphore_mem>>)
    %scan3A = arith.constant 0 : i32
    %scan3A_18 = arith.constant 0 : i32
    %scan3A_19 = arith.constant 40 : i32
    %scan3A_20 = arith.addi %scan3A_18, %scan3A_19 : i32
    %scan3A_21 = arith.constant 1 : i32
    scf.for %scan3A_24 = %scan3A_18 to %scan3A_20 step %scan3A_21  : i32 {
      %mul3A_25 = arith.constant 2 : i32
      %mul3A_26 = arith.muli %scan3A_24, %mul3A_25 : i32
      %add3A_27 = arith.constant 0 : i32
      %add3A_28 = arith.addi %mul3A_26, %add3A_27 : i32
      %dma_wait3A = arith.constant 0 : i32
      %dma_wait3A_29 = tpu.memref_slice %arg7[%add3A_28, %dma_wait3A] : memref<80x128xi32, #tpu.memory_space<vmem>> -> memref<1x128xi32, #tpu.memory_space<vmem>>
      %dma_wait3A_30 = tpu.memref_squeeze %dma_wait3A_29 : memref<1x128xi32, #tpu.memory_space<vmem>> -> memref<128xi32, #tpu.memory_space<vmem>>
      %dma_wait3A_31 = arith.constant 0 : i32
      %dma_wait3A_32 = arith.constant 0 : i32
      %dma_wait3A_33 = tpu.memref_slice %arg2[%dma_wait3A_31, %dma_wait3A_32] : memref<10000x64xf32, #tpu.memory_space<hbm>> -> memref<10000x64xf32, #tpu.memory_space<hbm>>
      tpu.wait_indirect_dma semaphore(%arg11 : memref<!tpu.dma_semaphore, #tpu.memory_space<semaphore_mem>>) src(%dma_wait3A_33 : memref<10000x64xf32, #tpu.memory_space<hbm>>) dst(%arg9 : memref<128x64xf32, #tpu.memory_space<vmem>>)
      %add3A_34 = arith.constant 2 : i32
      %add3A_35 = arith.addi %add3A_28, %add3A_34 : i32
      %lt3A = arith.constant 80 : i32
      %lt3A_36 = arith.cmpi slt, %add3A_35, %lt3A : i32
      %convert_element_type3A = arith.extui %lt3A_36 : i1 to i32
      %cond3A = arith.constant 0 : i32
      %cond3A_37 = arith.cmpi ne, %convert_element_type3A, %cond3A : i32
      scf.if %cond3A_37 {
        %dma_start3A_53 = arith.constant 0 : i32
        %dma_start3A_54 = tpu.memref_slice %arg7[%add3A_35, %dma_start3A_53] : memref<80x128xi32, #tpu.memory_space<vmem>> -> memref<1x128xi32, #tpu.memory_space<vmem>>
        %dma_start3A_55 = tpu.memref_squeeze %dma_start3A_54 : memref<1x128xi32, #tpu.memory_space<vmem>> -> memref<128xi32, #tpu.memory_space<vmem>>
        %dma_start3A_56 = arith.constant 0 : i32
        %dma_start3A_57 = arith.constant 0 : i32
        %dma_start3A_58 = tpu.memref_slice %arg2[%dma_start3A_56, %dma_start3A_57] : memref<10000x64xf32, #tpu.memory_space<hbm>> -> memref<10000x64xf32, #tpu.memory_space<hbm>>
        tpu.enqueue_indirect_dma source(%dma_start3A_58 : memref<10000x64xf32, #tpu.memory_space<hbm>>) target(%arg9 : memref<128x64xf32, #tpu.memory_space<vmem>>) offsets(%dma_start3A_55 : memref<128xi32, #tpu.memory_space<vmem>>) semaphore(%arg11 : memref<!tpu.dma_semaphore, #tpu.memory_space<semaphore_mem>>)
      } else {
      }
      "tpu.region"() ({
        %run_scoped3A = tpu.sem_alloc : memref<!tpu.dma_semaphore, #tpu.memory_space<semaphore_mem>>
        %dma_start3A_53 = arith.constant 0 : i32
        %dma_start3A_54 = tpu.memref_slice %arg8[%add3A_28, %dma_start3A_53] : memref<80x128xi32, #tpu.memory_space<vmem>> -> memref<1x128xi32, #tpu.memory_space<vmem>>
        %dma_start3A_55 = tpu.memref_squeeze %dma_start3A_54 : memref<1x128xi32, #tpu.memory_space<vmem>> -> memref<128xi32, #tpu.memory_space<vmem>>
        %dma_start3A_56 = arith.constant 0 : i32
        %dma_start3A_57 = arith.constant 0 : i32
        %dma_start3A_58 = tpu.memref_slice %arg13[%dma_start3A_56, %dma_start3A_57] : memref<10112x64xf32, #tpu.memory_space<vmem_shared>> -> memref<10112x64xf32, #tpu.memory_space<vmem_shared>>
        tpu.enqueue_indirect_dma source(%arg9 : memref<128x64xf32, #tpu.memory_space<vmem>>) target(%dma_start3A_58 : memref<10112x64xf32, #tpu.memory_space<vmem_shared>>) offsets(%dma_start3A_55 : memref<128xi32, #tpu.memory_space<vmem>>) semaphore(%run_scoped3A : memref<!tpu.dma_semaphore, #tpu.memory_space<semaphore_mem>>) {add = true}
        %dma_wait3A_59 = arith.constant 0 : i32
        %dma_wait3A_60 = tpu.memref_slice %arg8[%add3A_28, %dma_wait3A_59] : memref<80x128xi32, #tpu.memory_space<vmem>> -> memref<1x128xi32, #tpu.memory_space<vmem>>
        %dma_wait3A_61 = tpu.memref_squeeze %dma_wait3A_60 : memref<1x128xi32, #tpu.memory_space<vmem>> -> memref<128xi32, #tpu.memory_space<vmem>>
        %dma_wait3A_62 = arith.constant 0 : i32
        %dma_wait3A_63 = arith.constant 0 : i32
        %dma_wait3A_64 = tpu.memref_slice %arg13[%dma_wait3A_62, %dma_wait3A_63] : memref<10112x64xf32, #tpu.memory_space<vmem_shared>> -> memref<10112x64xf32, #tpu.memory_space<vmem_shared>>
        tpu.wait_indirect_dma semaphore(%run_scoped3A : memref<!tpu.dma_semaphore, #tpu.memory_space<semaphore_mem>>) src(%arg9 : memref<128x64xf32, #tpu.memory_space<vmem>>) dst(%dma_wait3A_64 : memref<10112x64xf32, #tpu.memory_space<vmem_shared>>)
        tpu.yield
      }) : () -> ()
      %add3A_38 = arith.constant 1 : i32
      %add3A_39 = arith.addi %mul3A_26, %add3A_38 : i32
      %dma_wait3A_40 = arith.constant 0 : i32
      %dma_wait3A_41 = tpu.memref_slice %arg7[%add3A_39, %dma_wait3A_40] : memref<80x128xi32, #tpu.memory_space<vmem>> -> memref<1x128xi32, #tpu.memory_space<vmem>>
      %dma_wait3A_42 = tpu.memref_squeeze %dma_wait3A_41 : memref<1x128xi32, #tpu.memory_space<vmem>> -> memref<128xi32, #tpu.memory_space<vmem>>
      %dma_wait3A_43 = arith.constant 0 : i32
      %dma_wait3A_44 = arith.constant 0 : i32
      %dma_wait3A_45 = tpu.memref_slice %arg2[%dma_wait3A_43, %dma_wait3A_44] : memref<10000x64xf32, #tpu.memory_space<hbm>> -> memref<10000x64xf32, #tpu.memory_space<hbm>>
      tpu.wait_indirect_dma semaphore(%arg12 : memref<!tpu.dma_semaphore, #tpu.memory_space<semaphore_mem>>) src(%dma_wait3A_45 : memref<10000x64xf32, #tpu.memory_space<hbm>>) dst(%arg10 : memref<128x64xf32, #tpu.memory_space<vmem>>)
      %add3A_46 = arith.constant 2 : i32
      %add3A_47 = arith.addi %add3A_39, %add3A_46 : i32
      %lt3A_48 = arith.constant 80 : i32
      %lt3A_49 = arith.cmpi slt, %add3A_47, %lt3A_48 : i32
      %convert_element_type3A_50 = arith.extui %lt3A_49 : i1 to i32
      %cond3A_51 = arith.constant 0 : i32
      %cond3A_52 = arith.cmpi ne, %convert_element_type3A_50, %cond3A_51 : i32
      scf.if %cond3A_52 {
        %dma_start3A_53 = arith.constant 0 : i32
        %dma_start3A_54 = tpu.memref_slice %arg7[%add3A_47, %dma_start3A_53] : memref<80x128xi32, #tpu.memory_space<vmem>> -> memref<1x128xi32, #tpu.memory_space<vmem>>
        %dma_start3A_55 = tpu.memref_squeeze %dma_start3A_54 : memref<1x128xi32, #tpu.memory_space<vmem>> -> memref<128xi32, #tpu.memory_space<vmem>>
        %dma_start3A_56 = arith.constant 0 : i32
        %dma_start3A_57 = arith.constant 0 : i32
        %dma_start3A_58 = tpu.memref_slice %arg2[%dma_start3A_56, %dma_start3A_57] : memref<10000x64xf32, #tpu.memory_space<hbm>> -> memref<10000x64xf32, #tpu.memory_space<hbm>>
        tpu.enqueue_indirect_dma source(%dma_start3A_58 : memref<10000x64xf32, #tpu.memory_space<hbm>>) target(%arg10 : memref<128x64xf32, #tpu.memory_space<vmem>>) offsets(%dma_start3A_55 : memref<128xi32, #tpu.memory_space<vmem>>) semaphore(%arg12 : memref<!tpu.dma_semaphore, #tpu.memory_space<semaphore_mem>>)
      } else {
      }
      "tpu.region"() ({
        %run_scoped3A = tpu.sem_alloc : memref<!tpu.dma_semaphore, #tpu.memory_space<semaphore_mem>>
        %dma_start3A_53 = arith.constant 0 : i32
        %dma_start3A_54 = tpu.memref_slice %arg8[%add3A_39, %dma_start3A_53] : memref<80x128xi32, #tpu.memory_space<vmem>> -> memref<1x128xi32, #tpu.memory_space<vmem>>
        %dma_start3A_55 = tpu.memref_squeeze %dma_start3A_54 : memref<1x128xi32, #tpu.memory_space<vmem>> -> memref<128xi32, #tpu.memory_space<vmem>>
        %dma_start3A_56 = arith.constant 0 : i32
        %dma_start3A_57 = arith.constant 0 : i32
        %dma_start3A_58 = tpu.memref_slice %arg13[%dma_start3A_56, %dma_start3A_57] : memref<10112x64xf32, #tpu.memory_space<vmem_shared>> -> memref<10112x64xf32, #tpu.memory_space<vmem_shared>>
        tpu.enqueue_indirect_dma source(%arg10 : memref<128x64xf32, #tpu.memory_space<vmem>>) target(%dma_start3A_58 : memref<10112x64xf32, #tpu.memory_space<vmem_shared>>) offsets(%dma_start3A_55 : memref<128xi32, #tpu.memory_space<vmem>>) semaphore(%run_scoped3A : memref<!tpu.dma_semaphore, #tpu.memory_space<semaphore_mem>>) {add = true}
        %dma_wait3A_59 = arith.constant 0 : i32
        %dma_wait3A_60 = tpu.memref_slice %arg8[%add3A_39, %dma_wait3A_59] : memref<80x128xi32, #tpu.memory_space<vmem>> -> memref<1x128xi32, #tpu.memory_space<vmem>>
        %dma_wait3A_61 = tpu.memref_squeeze %dma_wait3A_60 : memref<1x128xi32, #tpu.memory_space<vmem>> -> memref<128xi32, #tpu.memory_space<vmem>>
        %dma_wait3A_62 = arith.constant 0 : i32
        %dma_wait3A_63 = arith.constant 0 : i32
        %dma_wait3A_64 = tpu.memref_slice %arg13[%dma_wait3A_62, %dma_wait3A_63] : memref<10112x64xf32, #tpu.memory_space<vmem_shared>> -> memref<10112x64xf32, #tpu.memory_space<vmem_shared>>
        tpu.wait_indirect_dma semaphore(%run_scoped3A : memref<!tpu.dma_semaphore, #tpu.memory_space<semaphore_mem>>) src(%arg10 : memref<128x64xf32, #tpu.memory_space<vmem>>) dst(%dma_wait3A_64 : memref<10112x64xf32, #tpu.memory_space<vmem_shared>>)
        tpu.yield
      }) : () -> ()
    }
    %scan3A_22 = arith.constant 40 : i32
    %barrier3A_23 = arith.constant 0 : index
    tpu.barrier barrier_id(%barrier3A_23)
    "tpu.region"() ({
      %run_scoped3A = tpu.sem_alloc : memref<!tpu.dma_semaphore, #tpu.memory_space<semaphore_mem>>
      %dma_start3A_24 = arith.constant 0 : i32
      %dma_start3A_25 = tpu.memref_slice %arg6[%arg0, %mul3A_2, %dma_start3A_24] : memref<2x10112x64xf32, #tpu.memory_space<hbm>> -> memref<1x632x64xf32, #tpu.memory_space<hbm>>
      %dma_start3A_26 = tpu.memref_squeeze %dma_start3A_25 : memref<1x632x64xf32, #tpu.memory_space<hbm>> -> memref<632x64xf32, #tpu.memory_space<hbm>>
      %dma_start3A_27 = arith.constant 0 : i32
      %dma_start3A_28 = tpu.memref_slice %arg13[%mul3A_2, %dma_start3A_27] : memref<10112x64xf32, #tpu.memory_space<vmem_shared>> -> memref<632x64xf32, #tpu.memory_space<vmem_shared>>
      tpu.enqueue_dma source(%dma_start3A_28 : memref<632x64xf32, #tpu.memory_space<vmem_shared>>) target(%dma_start3A_26 : memref<632x64xf32, #tpu.memory_space<hbm>>) target_semaphore(%run_scoped3A : memref<!tpu.dma_semaphore, #tpu.memory_space<semaphore_mem>>)
      %dma_wait3A = arith.constant 0 : i32
      %dma_wait3A_29 = tpu.memref_slice %arg6[%arg0, %mul3A_2, %dma_wait3A] : memref<2x10112x64xf32, #tpu.memory_space<hbm>> -> memref<1x632x64xf32, #tpu.memory_space<hbm>>
      %dma_wait3A_30 = tpu.memref_squeeze %dma_wait3A_29 : memref<1x632x64xf32, #tpu.memory_space<hbm>> -> memref<632x64xf32, #tpu.memory_space<hbm>>
      %dma_wait3A_31 = arith.constant 0 : i32
      %dma_wait3A_32 = tpu.memref_slice %arg13[%mul3A_2, %dma_wait3A_31] : memref<10112x64xf32, #tpu.memory_space<vmem_shared>> -> memref<632x64xf32, #tpu.memory_space<vmem_shared>>
      tpu.wait_dma2 semaphore(%run_scoped3A : memref<!tpu.dma_semaphore, #tpu.memory_space<semaphore_mem>>) src(%dma_wait3A_32 : memref<632x64xf32, #tpu.memory_space<vmem_shared>>) dst(%dma_wait3A_30 : memref<632x64xf32, #tpu.memory_space<hbm>>)
      tpu.yield
    }) : () -> ()
    return
  }
}

#map = affine_map<(d0, d1) -> (0, 0)>
#map1 = affine_map<(d0, d1) -> (0, 0, 0)>
module attributes {stable_mosaic.version = 14 : i64} {
  func.func @_sc_segsum_body(%arg0: i32, %arg1: i32, %arg2: memref<10000x64xf32, #tpu.memory_space<hbm>>, %arg3: memref<2560x128xi32, #tpu.memory_space<hbm>>, %arg4: memref<2560x128xi32, #tpu.memory_space<hbm>>, %arg5: memref<10112x64xf32, #tpu.memory_space<hbm>>, %arg6: memref<10112x16xf32, #tpu.memory_space<hbm>>, %arg7: memref<128x16xf32, #tpu.memory_space<hbm>>, %arg8: memref<2x10112x64xf32, #tpu.memory_space<hbm>>, %arg9: memref<2x10112x16xf32, #tpu.memory_space<hbm>>, %arg10: memref<80x128xi32, #tpu.memory_space<vmem>>, %arg11: memref<80x128xi32, #tpu.memory_space<vmem>>, %arg12: memref<128x64xf32, #tpu.memory_space<vmem>>, %arg13: memref<128x64xf32, #tpu.memory_space<vmem>>, %arg14: memref<!tpu.dma_semaphore, #tpu.memory_space<semaphore_mem>>, %arg15: memref<!tpu.dma_semaphore, #tpu.memory_space<semaphore_mem>>, %arg16: memref<10112x64xf32, #tpu.memory_space<vmem_shared>>, %arg17: memref<128x16xf32, #tpu.memory_space<vmem>>, %arg18: memref<10112x16xf32, #tpu.memory_space<vmem_shared>>) attributes {dimension_semantics = [#tpu.dimension_semantics<core_parallel>, #tpu.dimension_semantics<subcore_parallel>], iteration_bounds = array<i64: 2, 16>, scalar_prefetch = 0 : i64, scratch_operands = 9 : i64, tpu.core_type = #tpu.core_type<sc_vector_subcore>, window_params = [{transform_indices = #map}, {transform_indices = #map}, {transform_indices = #map}, {transform_indices = #map}, {transform_indices = #map}, {transform_indices = #map}, {transform_indices = #map1}, {transform_indices = #map1}]} {
    %mul3A = arith.constant 2 : i32
    %mul3A_0 = arith.muli %arg1, %mul3A : i32
    %add3A = arith.addi %mul3A_0, %arg0 : i32
    %mul3A_1 = arith.constant 632 : i32
    %mul3A_2 = arith.muli %arg1, %mul3A_1 : i32
    "tpu.region"() ({
      %run_scoped3A = tpu.sem_alloc : memref<!tpu.dma_semaphore, #tpu.memory_space<semaphore_mem>>
      %dma_start3A_24 = arith.constant 0 : i32
      %dma_start3A_25 = tpu.memref_slice %arg16[%mul3A_2, %dma_start3A_24] : memref<10112x64xf32, #tpu.memory_space<vmem_shared>> -> memref<632x64xf32, #tpu.memory_space<vmem_shared>>
      %dma_start3A_26 = arith.constant 0 : i32
      %dma_start3A_27 = tpu.memref_slice %arg5[%mul3A_2, %dma_start3A_26] : memref<10112x64xf32, #tpu.memory_space<hbm>> -> memref<632x64xf32, #tpu.memory_space<hbm>>
      tpu.enqueue_dma source(%dma_start3A_27 : memref<632x64xf32, #tpu.memory_space<hbm>>) target(%dma_start3A_25 : memref<632x64xf32, #tpu.memory_space<vmem_shared>>) target_semaphore(%run_scoped3A : memref<!tpu.dma_semaphore, #tpu.memory_space<semaphore_mem>>)
      %dma_wait3A = arith.constant 0 : i32
      %dma_wait3A_28 = tpu.memref_slice %arg16[%mul3A_2, %dma_wait3A] : memref<10112x64xf32, #tpu.memory_space<vmem_shared>> -> memref<632x64xf32, #tpu.memory_space<vmem_shared>>
      %dma_wait3A_29 = arith.constant 0 : i32
      %dma_wait3A_30 = tpu.memref_slice %arg5[%mul3A_2, %dma_wait3A_29] : memref<10112x64xf32, #tpu.memory_space<hbm>> -> memref<632x64xf32, #tpu.memory_space<hbm>>
      tpu.wait_dma2 semaphore(%run_scoped3A : memref<!tpu.dma_semaphore, #tpu.memory_space<semaphore_mem>>) src(%dma_wait3A_30 : memref<632x64xf32, #tpu.memory_space<hbm>>) dst(%dma_wait3A_28 : memref<632x64xf32, #tpu.memory_space<vmem_shared>>)
      tpu.yield
    }) : () -> ()
    "tpu.region"() ({
      %run_scoped3A = tpu.sem_alloc : memref<!tpu.dma_semaphore, #tpu.memory_space<semaphore_mem>>
      %dma_start3A_24 = arith.constant 0 : i32
      %dma_start3A_25 = tpu.memref_slice %arg18[%mul3A_2, %dma_start3A_24] : memref<10112x16xf32, #tpu.memory_space<vmem_shared>> -> memref<632x16xf32, #tpu.memory_space<vmem_shared>>
      %dma_start3A_26 = arith.constant 0 : i32
      %dma_start3A_27 = tpu.memref_slice %arg6[%mul3A_2, %dma_start3A_26] : memref<10112x16xf32, #tpu.memory_space<hbm>> -> memref<632x16xf32, #tpu.memory_space<hbm>>
      tpu.enqueue_dma source(%dma_start3A_27 : memref<632x16xf32, #tpu.memory_space<hbm>>) target(%dma_start3A_25 : memref<632x16xf32, #tpu.memory_space<vmem_shared>>) target_semaphore(%run_scoped3A : memref<!tpu.dma_semaphore, #tpu.memory_space<semaphore_mem>>)
      %dma_wait3A = arith.constant 0 : i32
      %dma_wait3A_28 = tpu.memref_slice %arg18[%mul3A_2, %dma_wait3A] : memref<10112x16xf32, #tpu.memory_space<vmem_shared>> -> memref<632x16xf32, #tpu.memory_space<vmem_shared>>
      %dma_wait3A_29 = arith.constant 0 : i32
      %dma_wait3A_30 = tpu.memref_slice %arg6[%mul3A_2, %dma_wait3A_29] : memref<10112x16xf32, #tpu.memory_space<hbm>> -> memref<632x16xf32, #tpu.memory_space<hbm>>
      tpu.wait_dma2 semaphore(%run_scoped3A : memref<!tpu.dma_semaphore, #tpu.memory_space<semaphore_mem>>) src(%dma_wait3A_30 : memref<632x16xf32, #tpu.memory_space<hbm>>) dst(%dma_wait3A_28 : memref<632x16xf32, #tpu.memory_space<vmem_shared>>)
      tpu.yield
    }) : () -> ()
    "tpu.region"() ({
      %run_scoped3A = tpu.sem_alloc : memref<!tpu.dma_semaphore, #tpu.memory_space<semaphore_mem>>
      tpu.enqueue_dma source(%arg7 : memref<128x16xf32, #tpu.memory_space<hbm>>) target(%arg17 : memref<128x16xf32, #tpu.memory_space<vmem>>) target_semaphore(%run_scoped3A : memref<!tpu.dma_semaphore, #tpu.memory_space<semaphore_mem>>)
      tpu.wait_dma2 semaphore(%run_scoped3A : memref<!tpu.dma_semaphore, #tpu.memory_space<semaphore_mem>>) src(%arg7 : memref<128x16xf32, #tpu.memory_space<hbm>>) dst(%arg17 : memref<128x16xf32, #tpu.memory_space<vmem>>)
      tpu.yield
    }) : () -> ()
    %mul3A_3 = arith.constant 80 : i32
    %mul3A_4 = arith.muli %add3A, %mul3A_3 : i32
    "tpu.region"() ({
      %run_scoped3A = tpu.sem_alloc : memref<!tpu.dma_semaphore, #tpu.memory_space<semaphore_mem>>
      %dma_start3A_24 = arith.constant 0 : i32
      %dma_start3A_25 = tpu.memref_slice %arg3[%mul3A_4, %dma_start3A_24] : memref<2560x128xi32, #tpu.memory_space<hbm>> -> memref<80x128xi32, #tpu.memory_space<hbm>>
      %dma_start3A_26 = arith.constant 0 : i32
      %dma_start3A_27 = tpu.memref_slice %arg3[%mul3A_4, %dma_start3A_26] : memref<2560x128xi32, #tpu.memory_space<hbm>> -> memref<80x128xi32, #tpu.memory_space<hbm>>
      tpu.enqueue_dma source(%dma_start3A_27 : memref<80x128xi32, #tpu.memory_space<hbm>>) target(%arg10 : memref<80x128xi32, #tpu.memory_space<vmem>>) target_semaphore(%run_scoped3A : memref<!tpu.dma_semaphore, #tpu.memory_space<semaphore_mem>>)
      %dma_wait3A = arith.constant 0 : i32
      %dma_wait3A_28 = tpu.memref_slice %arg3[%mul3A_4, %dma_wait3A] : memref<2560x128xi32, #tpu.memory_space<hbm>> -> memref<80x128xi32, #tpu.memory_space<hbm>>
      %dma_wait3A_29 = arith.constant 0 : i32
      %dma_wait3A_30 = tpu.memref_slice %arg3[%mul3A_4, %dma_wait3A_29] : memref<2560x128xi32, #tpu.memory_space<hbm>> -> memref<80x128xi32, #tpu.memory_space<hbm>>
      tpu.wait_dma2 semaphore(%run_scoped3A : memref<!tpu.dma_semaphore, #tpu.memory_space<semaphore_mem>>) src(%dma_wait3A_30 : memref<80x128xi32, #tpu.memory_space<hbm>>) dst(%arg10 : memref<80x128xi32, #tpu.memory_space<vmem>>)
      tpu.yield
    }) : () -> ()
    "tpu.region"() ({
      %run_scoped3A = tpu.sem_alloc : memref<!tpu.dma_semaphore, #tpu.memory_space<semaphore_mem>>
      %dma_start3A_24 = arith.constant 0 : i32
      %dma_start3A_25 = tpu.memref_slice %arg4[%mul3A_4, %dma_start3A_24] : memref<2560x128xi32, #tpu.memory_space<hbm>> -> memref<80x128xi32, #tpu.memory_space<hbm>>
      %dma_start3A_26 = arith.constant 0 : i32
      %dma_start3A_27 = tpu.memref_slice %arg4[%mul3A_4, %dma_start3A_26] : memref<2560x128xi32, #tpu.memory_space<hbm>> -> memref<80x128xi32, #tpu.memory_space<hbm>>
      tpu.enqueue_dma source(%dma_start3A_27 : memref<80x128xi32, #tpu.memory_space<hbm>>) target(%arg11 : memref<80x128xi32, #tpu.memory_space<vmem>>) target_semaphore(%run_scoped3A : memref<!tpu.dma_semaphore, #tpu.memory_space<semaphore_mem>>)
      %dma_wait3A = arith.constant 0 : i32
      %dma_wait3A_28 = tpu.memref_slice %arg4[%mul3A_4, %dma_wait3A] : memref<2560x128xi32, #tpu.memory_space<hbm>> -> memref<80x128xi32, #tpu.memory_space<hbm>>
      %dma_wait3A_29 = arith.constant 0 : i32
      %dma_wait3A_30 = tpu.memref_slice %arg4[%mul3A_4, %dma_wait3A_29] : memref<2560x128xi32, #tpu.memory_space<hbm>> -> memref<80x128xi32, #tpu.memory_space<hbm>>
      tpu.wait_dma2 semaphore(%run_scoped3A : memref<!tpu.dma_semaphore, #tpu.memory_space<semaphore_mem>>) src(%dma_wait3A_30 : memref<80x128xi32, #tpu.memory_space<hbm>>) dst(%arg11 : memref<80x128xi32, #tpu.memory_space<vmem>>)
      tpu.yield
    }) : () -> ()
    %barrier3A = arith.constant 0 : index
    tpu.barrier barrier_id(%barrier3A)
    %dma_start3A = arith.constant 0 : i32
    %dma_start3A_5 = arith.constant 0 : i32
    %dma_start3A_6 = tpu.memref_slice %arg10[%dma_start3A, %dma_start3A_5] : memref<80x128xi32, #tpu.memory_space<vmem>> -> memref<1x128xi32, #tpu.memory_space<vmem>>
    %dma_start3A_7 = tpu.memref_squeeze %dma_start3A_6 : memref<1x128xi32, #tpu.memory_space<vmem>> -> memref<128xi32, #tpu.memory_space<vmem>>
    %dma_start3A_8 = arith.constant 0 : i32
    %dma_start3A_9 = arith.constant 0 : i32
    %dma_start3A_10 = tpu.memref_slice %arg2[%dma_start3A_8, %dma_start3A_9] : memref<10000x64xf32, #tpu.memory_space<hbm>> -> memref<10000x64xf32, #tpu.memory_space<hbm>>
    tpu.enqueue_indirect_dma source(%dma_start3A_10 : memref<10000x64xf32, #tpu.memory_space<hbm>>) target(%arg12 : memref<128x64xf32, #tpu.memory_space<vmem>>) offsets(%dma_start3A_7 : memref<128xi32, #tpu.memory_space<vmem>>) semaphore(%arg14 : memref<!tpu.dma_semaphore, #tpu.memory_space<semaphore_mem>>)
    %dma_start3A_11 = arith.constant 1 : i32
    %dma_start3A_12 = arith.constant 0 : i32
    %dma_start3A_13 = tpu.memref_slice %arg10[%dma_start3A_11, %dma_start3A_12] : memref<80x128xi32, #tpu.memory_space<vmem>> -> memref<1x128xi32, #tpu.memory_space<vmem>>
    %dma_start3A_14 = tpu.memref_squeeze %dma_start3A_13 : memref<1x128xi32, #tpu.memory_space<vmem>> -> memref<128xi32, #tpu.memory_space<vmem>>
    %dma_start3A_15 = arith.constant 0 : i32
    %dma_start3A_16 = arith.constant 0 : i32
    %dma_start3A_17 = tpu.memref_slice %arg2[%dma_start3A_15, %dma_start3A_16] : memref<10000x64xf32, #tpu.memory_space<hbm>> -> memref<10000x64xf32, #tpu.memory_space<hbm>>
    tpu.enqueue_indirect_dma source(%dma_start3A_17 : memref<10000x64xf32, #tpu.memory_space<hbm>>) target(%arg13 : memref<128x64xf32, #tpu.memory_space<vmem>>) offsets(%dma_start3A_14 : memref<128xi32, #tpu.memory_space<vmem>>) semaphore(%arg15 : memref<!tpu.dma_semaphore, #tpu.memory_space<semaphore_mem>>)
    %scan3A = arith.constant 0 : i32
    %scan3A_18 = arith.constant 0 : i32
    %scan3A_19 = arith.constant 40 : i32
    %scan3A_20 = arith.addi %scan3A_18, %scan3A_19 : i32
    %scan3A_21 = arith.constant 1 : i32
    scf.for %scan3A_24 = %scan3A_18 to %scan3A_20 step %scan3A_21  : i32 {
      %mul3A_25 = arith.constant 2 : i32
      %mul3A_26 = arith.muli %scan3A_24, %mul3A_25 : i32
      %add3A_27 = arith.constant 0 : i32
      %add3A_28 = arith.addi %mul3A_26, %add3A_27 : i32
      %dma_wait3A = arith.constant 0 : i32
      %dma_wait3A_29 = tpu.memref_slice %arg10[%add3A_28, %dma_wait3A] : memref<80x128xi32, #tpu.memory_space<vmem>> -> memref<1x128xi32, #tpu.memory_space<vmem>>
      %dma_wait3A_30 = tpu.memref_squeeze %dma_wait3A_29 : memref<1x128xi32, #tpu.memory_space<vmem>> -> memref<128xi32, #tpu.memory_space<vmem>>
      %dma_wait3A_31 = arith.constant 0 : i32
      %dma_wait3A_32 = arith.constant 0 : i32
      %dma_wait3A_33 = tpu.memref_slice %arg2[%dma_wait3A_31, %dma_wait3A_32] : memref<10000x64xf32, #tpu.memory_space<hbm>> -> memref<10000x64xf32, #tpu.memory_space<hbm>>
      tpu.wait_indirect_dma semaphore(%arg14 : memref<!tpu.dma_semaphore, #tpu.memory_space<semaphore_mem>>) src(%dma_wait3A_33 : memref<10000x64xf32, #tpu.memory_space<hbm>>) dst(%arg12 : memref<128x64xf32, #tpu.memory_space<vmem>>)
      %add3A_34 = arith.constant 2 : i32
      %add3A_35 = arith.addi %add3A_28, %add3A_34 : i32
      %lt3A = arith.constant 80 : i32
      %lt3A_36 = arith.cmpi slt, %add3A_35, %lt3A : i32
      %convert_element_type3A = arith.extui %lt3A_36 : i1 to i32
      %cond3A = arith.constant 0 : i32
      %cond3A_37 = arith.cmpi ne, %convert_element_type3A, %cond3A : i32
      scf.if %cond3A_37 {
        %dma_start3A_53 = arith.constant 0 : i32
        %dma_start3A_54 = tpu.memref_slice %arg10[%add3A_35, %dma_start3A_53] : memref<80x128xi32, #tpu.memory_space<vmem>> -> memref<1x128xi32, #tpu.memory_space<vmem>>
        %dma_start3A_55 = tpu.memref_squeeze %dma_start3A_54 : memref<1x128xi32, #tpu.memory_space<vmem>> -> memref<128xi32, #tpu.memory_space<vmem>>
        %dma_start3A_56 = arith.constant 0 : i32
        %dma_start3A_57 = arith.constant 0 : i32
        %dma_start3A_58 = tpu.memref_slice %arg2[%dma_start3A_56, %dma_start3A_57] : memref<10000x64xf32, #tpu.memory_space<hbm>> -> memref<10000x64xf32, #tpu.memory_space<hbm>>
        tpu.enqueue_indirect_dma source(%dma_start3A_58 : memref<10000x64xf32, #tpu.memory_space<hbm>>) target(%arg12 : memref<128x64xf32, #tpu.memory_space<vmem>>) offsets(%dma_start3A_55 : memref<128xi32, #tpu.memory_space<vmem>>) semaphore(%arg14 : memref<!tpu.dma_semaphore, #tpu.memory_space<semaphore_mem>>)
      } else {
      }
      "tpu.region"() ({
        %run_scoped3A = tpu.sem_alloc : memref<!tpu.dma_semaphore, #tpu.memory_space<semaphore_mem>>
        %dma_start3A_53 = arith.constant 0 : i32
        %dma_start3A_54 = tpu.memref_slice %arg11[%add3A_28, %dma_start3A_53] : memref<80x128xi32, #tpu.memory_space<vmem>> -> memref<1x128xi32, #tpu.memory_space<vmem>>
        %dma_start3A_55 = tpu.memref_squeeze %dma_start3A_54 : memref<1x128xi32, #tpu.memory_space<vmem>> -> memref<128xi32, #tpu.memory_space<vmem>>
        %dma_start3A_56 = arith.constant 0 : i32
        %dma_start3A_57 = arith.constant 0 : i32
        %dma_start3A_58 = tpu.memref_slice %arg16[%dma_start3A_56, %dma_start3A_57] : memref<10112x64xf32, #tpu.memory_space<vmem_shared>> -> memref<10112x64xf32, #tpu.memory_space<vmem_shared>>
        tpu.enqueue_indirect_dma source(%arg12 : memref<128x64xf32, #tpu.memory_space<vmem>>) target(%dma_start3A_58 : memref<10112x64xf32, #tpu.memory_space<vmem_shared>>) offsets(%dma_start3A_55 : memref<128xi32, #tpu.memory_space<vmem>>) semaphore(%run_scoped3A : memref<!tpu.dma_semaphore, #tpu.memory_space<semaphore_mem>>) {add = true}
        %dma_wait3A_59 = arith.constant 0 : i32
        %dma_wait3A_60 = tpu.memref_slice %arg11[%add3A_28, %dma_wait3A_59] : memref<80x128xi32, #tpu.memory_space<vmem>> -> memref<1x128xi32, #tpu.memory_space<vmem>>
        %dma_wait3A_61 = tpu.memref_squeeze %dma_wait3A_60 : memref<1x128xi32, #tpu.memory_space<vmem>> -> memref<128xi32, #tpu.memory_space<vmem>>
        %dma_wait3A_62 = arith.constant 0 : i32
        %dma_wait3A_63 = arith.constant 0 : i32
        %dma_wait3A_64 = tpu.memref_slice %arg16[%dma_wait3A_62, %dma_wait3A_63] : memref<10112x64xf32, #tpu.memory_space<vmem_shared>> -> memref<10112x64xf32, #tpu.memory_space<vmem_shared>>
        tpu.wait_indirect_dma semaphore(%run_scoped3A : memref<!tpu.dma_semaphore, #tpu.memory_space<semaphore_mem>>) src(%arg12 : memref<128x64xf32, #tpu.memory_space<vmem>>) dst(%dma_wait3A_64 : memref<10112x64xf32, #tpu.memory_space<vmem_shared>>)
        tpu.yield
      }) : () -> ()
      "tpu.region"() ({
        %run_scoped3A = tpu.sem_alloc : memref<!tpu.dma_semaphore, #tpu.memory_space<semaphore_mem>>
        %dma_start3A_53 = arith.constant 0 : i32
        %dma_start3A_54 = tpu.memref_slice %arg11[%add3A_28, %dma_start3A_53] : memref<80x128xi32, #tpu.memory_space<vmem>> -> memref<1x128xi32, #tpu.memory_space<vmem>>
        %dma_start3A_55 = tpu.memref_squeeze %dma_start3A_54 : memref<1x128xi32, #tpu.memory_space<vmem>> -> memref<128xi32, #tpu.memory_space<vmem>>
        %dma_start3A_56 = arith.constant 0 : i32
        %dma_start3A_57 = arith.constant 0 : i32
        %dma_start3A_58 = tpu.memref_slice %arg18[%dma_start3A_56, %dma_start3A_57] : memref<10112x16xf32, #tpu.memory_space<vmem_shared>> -> memref<10112x16xf32, #tpu.memory_space<vmem_shared>>
        tpu.enqueue_indirect_dma source(%arg17 : memref<128x16xf32, #tpu.memory_space<vmem>>) target(%dma_start3A_58 : memref<10112x16xf32, #tpu.memory_space<vmem_shared>>) offsets(%dma_start3A_55 : memref<128xi32, #tpu.memory_space<vmem>>) semaphore(%run_scoped3A : memref<!tpu.dma_semaphore, #tpu.memory_space<semaphore_mem>>) {add = true}
        %dma_wait3A_59 = arith.constant 0 : i32
        %dma_wait3A_60 = tpu.memref_slice %arg11[%add3A_28, %dma_wait3A_59] : memref<80x128xi32, #tpu.memory_space<vmem>> -> memref<1x128xi32, #tpu.memory_space<vmem>>
        %dma_wait3A_61 = tpu.memref_squeeze %dma_wait3A_60 : memref<1x128xi32, #tpu.memory_space<vmem>> -> memref<128xi32, #tpu.memory_space<vmem>>
        %dma_wait3A_62 = arith.constant 0 : i32
        %dma_wait3A_63 = arith.constant 0 : i32
        %dma_wait3A_64 = tpu.memref_slice %arg18[%dma_wait3A_62, %dma_wait3A_63] : memref<10112x16xf32, #tpu.memory_space<vmem_shared>> -> memref<10112x16xf32, #tpu.memory_space<vmem_shared>>
        tpu.wait_indirect_dma semaphore(%run_scoped3A : memref<!tpu.dma_semaphore, #tpu.memory_space<semaphore_mem>>) src(%arg17 : memref<128x16xf32, #tpu.memory_space<vmem>>) dst(%dma_wait3A_64 : memref<10112x16xf32, #tpu.memory_space<vmem_shared>>)
        tpu.yield
      }) : () -> ()
      %add3A_38 = arith.constant 1 : i32
      %add3A_39 = arith.addi %mul3A_26, %add3A_38 : i32
      %dma_wait3A_40 = arith.constant 0 : i32
      %dma_wait3A_41 = tpu.memref_slice %arg10[%add3A_39, %dma_wait3A_40] : memref<80x128xi32, #tpu.memory_space<vmem>> -> memref<1x128xi32, #tpu.memory_space<vmem>>
      %dma_wait3A_42 = tpu.memref_squeeze %dma_wait3A_41 : memref<1x128xi32, #tpu.memory_space<vmem>> -> memref<128xi32, #tpu.memory_space<vmem>>
      %dma_wait3A_43 = arith.constant 0 : i32
      %dma_wait3A_44 = arith.constant 0 : i32
      %dma_wait3A_45 = tpu.memref_slice %arg2[%dma_wait3A_43, %dma_wait3A_44] : memref<10000x64xf32, #tpu.memory_space<hbm>> -> memref<10000x64xf32, #tpu.memory_space<hbm>>
      tpu.wait_indirect_dma semaphore(%arg15 : memref<!tpu.dma_semaphore, #tpu.memory_space<semaphore_mem>>) src(%dma_wait3A_45 : memref<10000x64xf32, #tpu.memory_space<hbm>>) dst(%arg13 : memref<128x64xf32, #tpu.memory_space<vmem>>)
      %add3A_46 = arith.constant 2 : i32
      %add3A_47 = arith.addi %add3A_39, %add3A_46 : i32
      %lt3A_48 = arith.constant 80 : i32
      %lt3A_49 = arith.cmpi slt, %add3A_47, %lt3A_48 : i32
      %convert_element_type3A_50 = arith.extui %lt3A_49 : i1 to i32
      %cond3A_51 = arith.constant 0 : i32
      %cond3A_52 = arith.cmpi ne, %convert_element_type3A_50, %cond3A_51 : i32
      scf.if %cond3A_52 {
        %dma_start3A_53 = arith.constant 0 : i32
        %dma_start3A_54 = tpu.memref_slice %arg10[%add3A_47, %dma_start3A_53] : memref<80x128xi32, #tpu.memory_space<vmem>> -> memref<1x128xi32, #tpu.memory_space<vmem>>
        %dma_start3A_55 = tpu.memref_squeeze %dma_start3A_54 : memref<1x128xi32, #tpu.memory_space<vmem>> -> memref<128xi32, #tpu.memory_space<vmem>>
        %dma_start3A_56 = arith.constant 0 : i32
        %dma_start3A_57 = arith.constant 0 : i32
        %dma_start3A_58 = tpu.memref_slice %arg2[%dma_start3A_56, %dma_start3A_57] : memref<10000x64xf32, #tpu.memory_space<hbm>> -> memref<10000x64xf32, #tpu.memory_space<hbm>>
        tpu.enqueue_indirect_dma source(%dma_start3A_58 : memref<10000x64xf32, #tpu.memory_space<hbm>>) target(%arg13 : memref<128x64xf32, #tpu.memory_space<vmem>>) offsets(%dma_start3A_55 : memref<128xi32, #tpu.memory_space<vmem>>) semaphore(%arg15 : memref<!tpu.dma_semaphore, #tpu.memory_space<semaphore_mem>>)
      } else {
      }
      "tpu.region"() ({
        %run_scoped3A = tpu.sem_alloc : memref<!tpu.dma_semaphore, #tpu.memory_space<semaphore_mem>>
        %dma_start3A_53 = arith.constant 0 : i32
        %dma_start3A_54 = tpu.memref_slice %arg11[%add3A_39, %dma_start3A_53] : memref<80x128xi32, #tpu.memory_space<vmem>> -> memref<1x128xi32, #tpu.memory_space<vmem>>
        %dma_start3A_55 = tpu.memref_squeeze %dma_start3A_54 : memref<1x128xi32, #tpu.memory_space<vmem>> -> memref<128xi32, #tpu.memory_space<vmem>>
        %dma_start3A_56 = arith.constant 0 : i32
        %dma_start3A_57 = arith.constant 0 : i32
        %dma_start3A_58 = tpu.memref_slice %arg16[%dma_start3A_56, %dma_start3A_57] : memref<10112x64xf32, #tpu.memory_space<vmem_shared>> -> memref<10112x64xf32, #tpu.memory_space<vmem_shared>>
        tpu.enqueue_indirect_dma source(%arg13 : memref<128x64xf32, #tpu.memory_space<vmem>>) target(%dma_start3A_58 : memref<10112x64xf32, #tpu.memory_space<vmem_shared>>) offsets(%dma_start3A_55 : memref<128xi32, #tpu.memory_space<vmem>>) semaphore(%run_scoped3A : memref<!tpu.dma_semaphore, #tpu.memory_space<semaphore_mem>>) {add = true}
        %dma_wait3A_59 = arith.constant 0 : i32
        %dma_wait3A_60 = tpu.memref_slice %arg11[%add3A_39, %dma_wait3A_59] : memref<80x128xi32, #tpu.memory_space<vmem>> -> memref<1x128xi32, #tpu.memory_space<vmem>>
        %dma_wait3A_61 = tpu.memref_squeeze %dma_wait3A_60 : memref<1x128xi32, #tpu.memory_space<vmem>> -> memref<128xi32, #tpu.memory_space<vmem>>
        %dma_wait3A_62 = arith.constant 0 : i32
        %dma_wait3A_63 = arith.constant 0 : i32
        %dma_wait3A_64 = tpu.memref_slice %arg16[%dma_wait3A_62, %dma_wait3A_63] : memref<10112x64xf32, #tpu.memory_space<vmem_shared>> -> memref<10112x64xf32, #tpu.memory_space<vmem_shared>>
        tpu.wait_indirect_dma semaphore(%run_scoped3A : memref<!tpu.dma_semaphore, #tpu.memory_space<semaphore_mem>>) src(%arg13 : memref<128x64xf32, #tpu.memory_space<vmem>>) dst(%dma_wait3A_64 : memref<10112x64xf32, #tpu.memory_space<vmem_shared>>)
        tpu.yield
      }) : () -> ()
      "tpu.region"() ({
        %run_scoped3A = tpu.sem_alloc : memref<!tpu.dma_semaphore, #tpu.memory_space<semaphore_mem>>
        %dma_start3A_53 = arith.constant 0 : i32
        %dma_start3A_54 = tpu.memref_slice %arg11[%add3A_39, %dma_start3A_53] : memref<80x128xi32, #tpu.memory_space<vmem>> -> memref<1x128xi32, #tpu.memory_space<vmem>>
        %dma_start3A_55 = tpu.memref_squeeze %dma_start3A_54 : memref<1x128xi32, #tpu.memory_space<vmem>> -> memref<128xi32, #tpu.memory_space<vmem>>
        %dma_start3A_56 = arith.constant 0 : i32
        %dma_start3A_57 = arith.constant 0 : i32
        %dma_start3A_58 = tpu.memref_slice %arg18[%dma_start3A_56, %dma_start3A_57] : memref<10112x16xf32, #tpu.memory_space<vmem_shared>> -> memref<10112x16xf32, #tpu.memory_space<vmem_shared>>
        tpu.enqueue_indirect_dma source(%arg17 : memref<128x16xf32, #tpu.memory_space<vmem>>) target(%dma_start3A_58 : memref<10112x16xf32, #tpu.memory_space<vmem_shared>>) offsets(%dma_start3A_55 : memref<128xi32, #tpu.memory_space<vmem>>) semaphore(%run_scoped3A : memref<!tpu.dma_semaphore, #tpu.memory_space<semaphore_mem>>) {add = true}
        %dma_wait3A_59 = arith.constant 0 : i32
        %dma_wait3A_60 = tpu.memref_slice %arg11[%add3A_39, %dma_wait3A_59] : memref<80x128xi32, #tpu.memory_space<vmem>> -> memref<1x128xi32, #tpu.memory_space<vmem>>
        %dma_wait3A_61 = tpu.memref_squeeze %dma_wait3A_60 : memref<1x128xi32, #tpu.memory_space<vmem>> -> memref<128xi32, #tpu.memory_space<vmem>>
        %dma_wait3A_62 = arith.constant 0 : i32
        %dma_wait3A_63 = arith.constant 0 : i32
        %dma_wait3A_64 = tpu.memref_slice %arg18[%dma_wait3A_62, %dma_wait3A_63] : memref<10112x16xf32, #tpu.memory_space<vmem_shared>> -> memref<10112x16xf32, #tpu.memory_space<vmem_shared>>
        tpu.wait_indirect_dma semaphore(%run_scoped3A : memref<!tpu.dma_semaphore, #tpu.memory_space<semaphore_mem>>) src(%arg17 : memref<128x16xf32, #tpu.memory_space<vmem>>) dst(%dma_wait3A_64 : memref<10112x16xf32, #tpu.memory_space<vmem_shared>>)
        tpu.yield
      }) : () -> ()
    }
    %scan3A_22 = arith.constant 40 : i32
    %barrier3A_23 = arith.constant 0 : index
    tpu.barrier barrier_id(%barrier3A_23)
    "tpu.region"() ({
      %run_scoped3A = tpu.sem_alloc : memref<!tpu.dma_semaphore, #tpu.memory_space<semaphore_mem>>
      %dma_start3A_24 = arith.constant 0 : i32
      %dma_start3A_25 = tpu.memref_slice %arg8[%arg0, %mul3A_2, %dma_start3A_24] : memref<2x10112x64xf32, #tpu.memory_space<hbm>> -> memref<1x632x64xf32, #tpu.memory_space<hbm>>
      %dma_start3A_26 = tpu.memref_squeeze %dma_start3A_25 : memref<1x632x64xf32, #tpu.memory_space<hbm>> -> memref<632x64xf32, #tpu.memory_space<hbm>>
      %dma_start3A_27 = arith.constant 0 : i32
      %dma_start3A_28 = tpu.memref_slice %arg16[%mul3A_2, %dma_start3A_27] : memref<10112x64xf32, #tpu.memory_space<vmem_shared>> -> memref<632x64xf32, #tpu.memory_space<vmem_shared>>
      tpu.enqueue_dma source(%dma_start3A_28 : memref<632x64xf32, #tpu.memory_space<vmem_shared>>) target(%dma_start3A_26 : memref<632x64xf32, #tpu.memory_space<hbm>>) target_semaphore(%run_scoped3A : memref<!tpu.dma_semaphore, #tpu.memory_space<semaphore_mem>>)
      %dma_wait3A = arith.constant 0 : i32
      %dma_wait3A_29 = tpu.memref_slice %arg8[%arg0, %mul3A_2, %dma_wait3A] : memref<2x10112x64xf32, #tpu.memory_space<hbm>> -> memref<1x632x64xf32, #tpu.memory_space<hbm>>
      %dma_wait3A_30 = tpu.memref_squeeze %dma_wait3A_29 : memref<1x632x64xf32, #tpu.memory_space<hbm>> -> memref<632x64xf32, #tpu.memory_space<hbm>>
      %dma_wait3A_31 = arith.constant 0 : i32
      %dma_wait3A_32 = tpu.memref_slice %arg16[%mul3A_2, %dma_wait3A_31] : memref<10112x64xf32, #tpu.memory_space<vmem_shared>> -> memref<632x64xf32, #tpu.memory_space<vmem_shared>>
      tpu.wait_dma2 semaphore(%run_scoped3A : memref<!tpu.dma_semaphore, #tpu.memory_space<semaphore_mem>>) src(%dma_wait3A_32 : memref<632x64xf32, #tpu.memory_space<vmem_shared>>) dst(%dma_wait3A_30 : memref<632x64xf32, #tpu.memory_space<hbm>>)
      tpu.yield
    }) : () -> ()
    "tpu.region"() ({
      %run_scoped3A = tpu.sem_alloc : memref<!tpu.dma_semaphore, #tpu.memory_space<semaphore_mem>>
      %dma_start3A_24 = arith.constant 0 : i32
      %dma_start3A_25 = tpu.memref_slice %arg9[%arg0, %mul3A_2, %dma_start3A_24] : memref<2x10112x16xf32, #tpu.memory_space<hbm>> -> memref<1x632x16xf32, #tpu.memory_space<hbm>>
      %dma_start3A_26 = tpu.memref_squeeze %dma_start3A_25 : memref<1x632x16xf32, #tpu.memory_space<hbm>> -> memref<632x16xf32, #tpu.memory_space<hbm>>
      %dma_start3A_27 = arith.constant 0 : i32
      %dma_start3A_28 = tpu.memref_slice %arg18[%mul3A_2, %dma_start3A_27] : memref<10112x16xf32, #tpu.memory_space<vmem_shared>> -> memref<632x16xf32, #tpu.memory_space<vmem_shared>>
      tpu.enqueue_dma source(%dma_start3A_28 : memref<632x16xf32, #tpu.memory_space<vmem_shared>>) target(%dma_start3A_26 : memref<632x16xf32, #tpu.memory_space<hbm>>) target_semaphore(%run_scoped3A : memref<!tpu.dma_semaphore, #tpu.memory_space<semaphore_mem>>)
      %dma_wait3A = arith.constant 0 : i32
      %dma_wait3A_29 = tpu.memref_slice %arg9[%arg0, %mul3A_2, %dma_wait3A] : memref<2x10112x16xf32, #tpu.memory_space<hbm>> -> memref<1x632x16xf32, #tpu.memory_space<hbm>>
      %dma_wait3A_30 = tpu.memref_squeeze %dma_wait3A_29 : memref<1x632x16xf32, #tpu.memory_space<hbm>> -> memref<632x16xf32, #tpu.memory_space<hbm>>
      %dma_wait3A_31 = arith.constant 0 : i32
      %dma_wait3A_32 = tpu.memref_slice %arg18[%mul3A_2, %dma_wait3A_31] : memref<10112x16xf32, #tpu.memory_space<vmem_shared>> -> memref<632x16xf32, #tpu.memory_space<vmem_shared>>
      tpu.wait_dma2 semaphore(%run_scoped3A : memref<!tpu.dma_semaphore, #tpu.memory_space<semaphore_mem>>) src(%dma_wait3A_32 : memref<632x16xf32, #tpu.memory_space<vmem_shared>>) dst(%dma_wait3A_30 : memref<632x16xf32, #tpu.memory_space<hbm>>)
      tpu.yield
    }) : () -> ()
    return
  }
}

#map = affine_map<(d0, d1) -> (0, 0)>
#map1 = affine_map<(d0, d1) -> (0, 0, 0)>
module attributes {stable_mosaic.version = 14 : i64} {
  func.func @_sc_segsum_body(%arg0: i32, %arg1: i32, %arg2: memref<10000x64xf32, #tpu.memory_space<hbm>>, %arg3: memref<2560x128xi32, #tpu.memory_space<hbm>>, %arg4: memref<2560x128xi32, #tpu.memory_space<hbm>>, %arg5: memref<10112x64xf32, #tpu.memory_space<hbm>>, %arg6: memref<2x10112x64xf32, #tpu.memory_space<hbm>>, %arg7: memref<80x128xi32, #tpu.memory_space<vmem>>, %arg8: memref<80x128xi32, #tpu.memory_space<vmem>>, %arg9: memref<128x64xf32, #tpu.memory_space<vmem>>, %arg10: memref<128x64xf32, #tpu.memory_space<vmem>>, %arg11: memref<!tpu.dma_semaphore, #tpu.memory_space<semaphore_mem>>, %arg12: memref<!tpu.dma_semaphore, #tpu.memory_space<semaphore_mem>>, %arg13: memref<10112x64xf32, #tpu.memory_space<vmem_shared>>) attributes {dimension_semantics = [#tpu.dimension_semantics<core_parallel>, #tpu.dimension_semantics<subcore_parallel>], iteration_bounds = array<i64: 2, 16>, scalar_prefetch = 0 : i64, scratch_operands = 7 : i64, tpu.core_type = #tpu.core_type<sc_vector_subcore>, window_params = [{transform_indices = #map}, {transform_indices = #map}, {transform_indices = #map}, {transform_indices = #map}, {transform_indices = #map1}]} {
    %mul3A = arith.constant 2 : i32
    %mul3A_0 = arith.muli %arg1, %mul3A : i32
    %add3A = arith.addi %mul3A_0, %arg0 : i32
    %mul3A_1 = arith.constant 632 : i32
    %mul3A_2 = arith.muli %arg1, %mul3A_1 : i32
    "tpu.region"() ({
      %run_scoped3A = tpu.sem_alloc : memref<!tpu.dma_semaphore, #tpu.memory_space<semaphore_mem>>
      %dma_start3A_24 = arith.constant 0 : i32
      %dma_start3A_25 = tpu.memref_slice %arg13[%mul3A_2, %dma_start3A_24] : memref<10112x64xf32, #tpu.memory_space<vmem_shared>> -> memref<632x64xf32, #tpu.memory_space<vmem_shared>>
      %dma_start3A_26 = arith.constant 0 : i32
      %dma_start3A_27 = tpu.memref_slice %arg5[%mul3A_2, %dma_start3A_26] : memref<10112x64xf32, #tpu.memory_space<hbm>> -> memref<632x64xf32, #tpu.memory_space<hbm>>
      tpu.enqueue_dma source(%dma_start3A_27 : memref<632x64xf32, #tpu.memory_space<hbm>>) target(%dma_start3A_25 : memref<632x64xf32, #tpu.memory_space<vmem_shared>>) target_semaphore(%run_scoped3A : memref<!tpu.dma_semaphore, #tpu.memory_space<semaphore_mem>>)
      %dma_wait3A = arith.constant 0 : i32
      %dma_wait3A_28 = tpu.memref_slice %arg13[%mul3A_2, %dma_wait3A] : memref<10112x64xf32, #tpu.memory_space<vmem_shared>> -> memref<632x64xf32, #tpu.memory_space<vmem_shared>>
      %dma_wait3A_29 = arith.constant 0 : i32
      %dma_wait3A_30 = tpu.memref_slice %arg5[%mul3A_2, %dma_wait3A_29] : memref<10112x64xf32, #tpu.memory_space<hbm>> -> memref<632x64xf32, #tpu.memory_space<hbm>>
      tpu.wait_dma2 semaphore(%run_scoped3A : memref<!tpu.dma_semaphore, #tpu.memory_space<semaphore_mem>>) src(%dma_wait3A_30 : memref<632x64xf32, #tpu.memory_space<hbm>>) dst(%dma_wait3A_28 : memref<632x64xf32, #tpu.memory_space<vmem_shared>>)
      tpu.yield
    }) : () -> ()
    %mul3A_3 = arith.constant 80 : i32
    %mul3A_4 = arith.muli %add3A, %mul3A_3 : i32
    "tpu.region"() ({
      %run_scoped3A = tpu.sem_alloc : memref<!tpu.dma_semaphore, #tpu.memory_space<semaphore_mem>>
      %dma_start3A_24 = arith.constant 0 : i32
      %dma_start3A_25 = tpu.memref_slice %arg3[%mul3A_4, %dma_start3A_24] : memref<2560x128xi32, #tpu.memory_space<hbm>> -> memref<80x128xi32, #tpu.memory_space<hbm>>
      %dma_start3A_26 = arith.constant 0 : i32
      %dma_start3A_27 = tpu.memref_slice %arg3[%mul3A_4, %dma_start3A_26] : memref<2560x128xi32, #tpu.memory_space<hbm>> -> memref<80x128xi32, #tpu.memory_space<hbm>>
      tpu.enqueue_dma source(%dma_start3A_27 : memref<80x128xi32, #tpu.memory_space<hbm>>) target(%arg7 : memref<80x128xi32, #tpu.memory_space<vmem>>) target_semaphore(%run_scoped3A : memref<!tpu.dma_semaphore, #tpu.memory_space<semaphore_mem>>)
      %dma_wait3A = arith.constant 0 : i32
      %dma_wait3A_28 = tpu.memref_slice %arg3[%mul3A_4, %dma_wait3A] : memref<2560x128xi32, #tpu.memory_space<hbm>> -> memref<80x128xi32, #tpu.memory_space<hbm>>
      %dma_wait3A_29 = arith.constant 0 : i32
      %dma_wait3A_30 = tpu.memref_slice %arg3[%mul3A_4, %dma_wait3A_29] : memref<2560x128xi32, #tpu.memory_space<hbm>> -> memref<80x128xi32, #tpu.memory_space<hbm>>
      tpu.wait_dma2 semaphore(%run_scoped3A : memref<!tpu.dma_semaphore, #tpu.memory_space<semaphore_mem>>) src(%dma_wait3A_30 : memref<80x128xi32, #tpu.memory_space<hbm>>) dst(%arg7 : memref<80x128xi32, #tpu.memory_space<vmem>>)
      tpu.yield
    }) : () -> ()
    "tpu.region"() ({
      %run_scoped3A = tpu.sem_alloc : memref<!tpu.dma_semaphore, #tpu.memory_space<semaphore_mem>>
      %dma_start3A_24 = arith.constant 0 : i32
      %dma_start3A_25 = tpu.memref_slice %arg4[%mul3A_4, %dma_start3A_24] : memref<2560x128xi32, #tpu.memory_space<hbm>> -> memref<80x128xi32, #tpu.memory_space<hbm>>
      %dma_start3A_26 = arith.constant 0 : i32
      %dma_start3A_27 = tpu.memref_slice %arg4[%mul3A_4, %dma_start3A_26] : memref<2560x128xi32, #tpu.memory_space<hbm>> -> memref<80x128xi32, #tpu.memory_space<hbm>>
      tpu.enqueue_dma source(%dma_start3A_27 : memref<80x128xi32, #tpu.memory_space<hbm>>) target(%arg8 : memref<80x128xi32, #tpu.memory_space<vmem>>) target_semaphore(%run_scoped3A : memref<!tpu.dma_semaphore, #tpu.memory_space<semaphore_mem>>)
      %dma_wait3A = arith.constant 0 : i32
      %dma_wait3A_28 = tpu.memref_slice %arg4[%mul3A_4, %dma_wait3A] : memref<2560x128xi32, #tpu.memory_space<hbm>> -> memref<80x128xi32, #tpu.memory_space<hbm>>
      %dma_wait3A_29 = arith.constant 0 : i32
      %dma_wait3A_30 = tpu.memref_slice %arg4[%mul3A_4, %dma_wait3A_29] : memref<2560x128xi32, #tpu.memory_space<hbm>> -> memref<80x128xi32, #tpu.memory_space<hbm>>
      tpu.wait_dma2 semaphore(%run_scoped3A : memref<!tpu.dma_semaphore, #tpu.memory_space<semaphore_mem>>) src(%dma_wait3A_30 : memref<80x128xi32, #tpu.memory_space<hbm>>) dst(%arg8 : memref<80x128xi32, #tpu.memory_space<vmem>>)
      tpu.yield
    }) : () -> ()
    %barrier3A = arith.constant 0 : index
    tpu.barrier barrier_id(%barrier3A)
    %dma_start3A = arith.constant 0 : i32
    %dma_start3A_5 = arith.constant 0 : i32
    %dma_start3A_6 = tpu.memref_slice %arg7[%dma_start3A, %dma_start3A_5] : memref<80x128xi32, #tpu.memory_space<vmem>> -> memref<1x128xi32, #tpu.memory_space<vmem>>
    %dma_start3A_7 = tpu.memref_squeeze %dma_start3A_6 : memref<1x128xi32, #tpu.memory_space<vmem>> -> memref<128xi32, #tpu.memory_space<vmem>>
    %dma_start3A_8 = arith.constant 0 : i32
    %dma_start3A_9 = arith.constant 0 : i32
    %dma_start3A_10 = tpu.memref_slice %arg2[%dma_start3A_8, %dma_start3A_9] : memref<10000x64xf32, #tpu.memory_space<hbm>> -> memref<10000x64xf32, #tpu.memory_space<hbm>>
    tpu.enqueue_indirect_dma source(%dma_start3A_10 : memref<10000x64xf32, #tpu.memory_space<hbm>>) target(%arg9 : memref<128x64xf32, #tpu.memory_space<vmem>>) offsets(%dma_start3A_7 : memref<128xi32, #tpu.memory_space<vmem>>) semaphore(%arg11 : memref<!tpu.dma_semaphore, #tpu.memory_space<semaphore_mem>>)
    %dma_start3A_11 = arith.constant 1 : i32
    %dma_start3A_12 = arith.constant 0 : i32
    %dma_start3A_13 = tpu.memref_slice %arg7[%dma_start3A_11, %dma_start3A_12] : memref<80x128xi32, #tpu.memory_space<vmem>> -> memref<1x128xi32, #tpu.memory_space<vmem>>
    %dma_start3A_14 = tpu.memref_squeeze %dma_start3A_13 : memref<1x128xi32, #tpu.memory_space<vmem>> -> memref<128xi32, #tpu.memory_space<vmem>>
    %dma_start3A_15 = arith.constant 0 : i32
    %dma_start3A_16 = arith.constant 0 : i32
    %dma_start3A_17 = tpu.memref_slice %arg2[%dma_start3A_15, %dma_start3A_16] : memref<10000x64xf32, #tpu.memory_space<hbm>> -> memref<10000x64xf32, #tpu.memory_space<hbm>>
    tpu.enqueue_indirect_dma source(%dma_start3A_17 : memref<10000x64xf32, #tpu.memory_space<hbm>>) target(%arg10 : memref<128x64xf32, #tpu.memory_space<vmem>>) offsets(%dma_start3A_14 : memref<128xi32, #tpu.memory_space<vmem>>) semaphore(%arg12 : memref<!tpu.dma_semaphore, #tpu.memory_space<semaphore_mem>>)
    %scan3A = arith.constant 0 : i32
    %scan3A_18 = arith.constant 0 : i32
    %scan3A_19 = arith.constant 40 : i32
    %scan3A_20 = arith.addi %scan3A_18, %scan3A_19 : i32
    %scan3A_21 = arith.constant 1 : i32
    scf.for %scan3A_24 = %scan3A_18 to %scan3A_20 step %scan3A_21  : i32 {
      %mul3A_25 = arith.constant 2 : i32
      %mul3A_26 = arith.muli %scan3A_24, %mul3A_25 : i32
      %add3A_27 = arith.constant 0 : i32
      %add3A_28 = arith.addi %mul3A_26, %add3A_27 : i32
      %dma_wait3A = arith.constant 0 : i32
      %dma_wait3A_29 = tpu.memref_slice %arg7[%add3A_28, %dma_wait3A] : memref<80x128xi32, #tpu.memory_space<vmem>> -> memref<1x128xi32, #tpu.memory_space<vmem>>
      %dma_wait3A_30 = tpu.memref_squeeze %dma_wait3A_29 : memref<1x128xi32, #tpu.memory_space<vmem>> -> memref<128xi32, #tpu.memory_space<vmem>>
      %dma_wait3A_31 = arith.constant 0 : i32
      %dma_wait3A_32 = arith.constant 0 : i32
      %dma_wait3A_33 = tpu.memref_slice %arg2[%dma_wait3A_31, %dma_wait3A_32] : memref<10000x64xf32, #tpu.memory_space<hbm>> -> memref<10000x64xf32, #tpu.memory_space<hbm>>
      tpu.wait_indirect_dma semaphore(%arg11 : memref<!tpu.dma_semaphore, #tpu.memory_space<semaphore_mem>>) src(%dma_wait3A_33 : memref<10000x64xf32, #tpu.memory_space<hbm>>) dst(%arg9 : memref<128x64xf32, #tpu.memory_space<vmem>>)
      %add3A_34 = arith.constant 2 : i32
      %add3A_35 = arith.addi %add3A_28, %add3A_34 : i32
      %lt3A = arith.constant 80 : i32
      %lt3A_36 = arith.cmpi slt, %add3A_35, %lt3A : i32
      %convert_element_type3A = arith.extui %lt3A_36 : i1 to i32
      %cond3A = arith.constant 0 : i32
      %cond3A_37 = arith.cmpi ne, %convert_element_type3A, %cond3A : i32
      scf.if %cond3A_37 {
        %dma_start3A_53 = arith.constant 0 : i32
        %dma_start3A_54 = tpu.memref_slice %arg7[%add3A_35, %dma_start3A_53] : memref<80x128xi32, #tpu.memory_space<vmem>> -> memref<1x128xi32, #tpu.memory_space<vmem>>
        %dma_start3A_55 = tpu.memref_squeeze %dma_start3A_54 : memref<1x128xi32, #tpu.memory_space<vmem>> -> memref<128xi32, #tpu.memory_space<vmem>>
        %dma_start3A_56 = arith.constant 0 : i32
        %dma_start3A_57 = arith.constant 0 : i32
        %dma_start3A_58 = tpu.memref_slice %arg2[%dma_start3A_56, %dma_start3A_57] : memref<10000x64xf32, #tpu.memory_space<hbm>> -> memref<10000x64xf32, #tpu.memory_space<hbm>>
        tpu.enqueue_indirect_dma source(%dma_start3A_58 : memref<10000x64xf32, #tpu.memory_space<hbm>>) target(%arg9 : memref<128x64xf32, #tpu.memory_space<vmem>>) offsets(%dma_start3A_55 : memref<128xi32, #tpu.memory_space<vmem>>) semaphore(%arg11 : memref<!tpu.dma_semaphore, #tpu.memory_space<semaphore_mem>>)
      } else {
      }
      "tpu.region"() ({
        %run_scoped3A = tpu.sem_alloc : memref<!tpu.dma_semaphore, #tpu.memory_space<semaphore_mem>>
        %dma_start3A_53 = arith.constant 0 : i32
        %dma_start3A_54 = tpu.memref_slice %arg8[%add3A_28, %dma_start3A_53] : memref<80x128xi32, #tpu.memory_space<vmem>> -> memref<1x128xi32, #tpu.memory_space<vmem>>
        %dma_start3A_55 = tpu.memref_squeeze %dma_start3A_54 : memref<1x128xi32, #tpu.memory_space<vmem>> -> memref<128xi32, #tpu.memory_space<vmem>>
        %dma_start3A_56 = arith.constant 0 : i32
        %dma_start3A_57 = arith.constant 0 : i32
        %dma_start3A_58 = tpu.memref_slice %arg13[%dma_start3A_56, %dma_start3A_57] : memref<10112x64xf32, #tpu.memory_space<vmem_shared>> -> memref<10112x64xf32, #tpu.memory_space<vmem_shared>>
        tpu.enqueue_indirect_dma source(%arg9 : memref<128x64xf32, #tpu.memory_space<vmem>>) target(%dma_start3A_58 : memref<10112x64xf32, #tpu.memory_space<vmem_shared>>) offsets(%dma_start3A_55 : memref<128xi32, #tpu.memory_space<vmem>>) semaphore(%run_scoped3A : memref<!tpu.dma_semaphore, #tpu.memory_space<semaphore_mem>>) {add = true}
        %dma_wait3A_59 = arith.constant 0 : i32
        %dma_wait3A_60 = tpu.memref_slice %arg8[%add3A_28, %dma_wait3A_59] : memref<80x128xi32, #tpu.memory_space<vmem>> -> memref<1x128xi32, #tpu.memory_space<vmem>>
        %dma_wait3A_61 = tpu.memref_squeeze %dma_wait3A_60 : memref<1x128xi32, #tpu.memory_space<vmem>> -> memref<128xi32, #tpu.memory_space<vmem>>
        %dma_wait3A_62 = arith.constant 0 : i32
        %dma_wait3A_63 = arith.constant 0 : i32
        %dma_wait3A_64 = tpu.memref_slice %arg13[%dma_wait3A_62, %dma_wait3A_63] : memref<10112x64xf32, #tpu.memory_space<vmem_shared>> -> memref<10112x64xf32, #tpu.memory_space<vmem_shared>>
        tpu.wait_indirect_dma semaphore(%run_scoped3A : memref<!tpu.dma_semaphore, #tpu.memory_space<semaphore_mem>>) src(%arg9 : memref<128x64xf32, #tpu.memory_space<vmem>>) dst(%dma_wait3A_64 : memref<10112x64xf32, #tpu.memory_space<vmem_shared>>)
        tpu.yield
      }) : () -> ()
      %add3A_38 = arith.constant 1 : i32
      %add3A_39 = arith.addi %mul3A_26, %add3A_38 : i32
      %dma_wait3A_40 = arith.constant 0 : i32
      %dma_wait3A_41 = tpu.memref_slice %arg7[%add3A_39, %dma_wait3A_40] : memref<80x128xi32, #tpu.memory_space<vmem>> -> memref<1x128xi32, #tpu.memory_space<vmem>>
      %dma_wait3A_42 = tpu.memref_squeeze %dma_wait3A_41 : memref<1x128xi32, #tpu.memory_space<vmem>> -> memref<128xi32, #tpu.memory_space<vmem>>
      %dma_wait3A_43 = arith.constant 0 : i32
      %dma_wait3A_44 = arith.constant 0 : i32
      %dma_wait3A_45 = tpu.memref_slice %arg2[%dma_wait3A_43, %dma_wait3A_44] : memref<10000x64xf32, #tpu.memory_space<hbm>> -> memref<10000x64xf32, #tpu.memory_space<hbm>>
      tpu.wait_indirect_dma semaphore(%arg12 : memref<!tpu.dma_semaphore, #tpu.memory_space<semaphore_mem>>) src(%dma_wait3A_45 : memref<10000x64xf32, #tpu.memory_space<hbm>>) dst(%arg10 : memref<128x64xf32, #tpu.memory_space<vmem>>)
      %add3A_46 = arith.constant 2 : i32
      %add3A_47 = arith.addi %add3A_39, %add3A_46 : i32
      %lt3A_48 = arith.constant 80 : i32
      %lt3A_49 = arith.cmpi slt, %add3A_47, %lt3A_48 : i32
      %convert_element_type3A_50 = arith.extui %lt3A_49 : i1 to i32
      %cond3A_51 = arith.constant 0 : i32
      %cond3A_52 = arith.cmpi ne, %convert_element_type3A_50, %cond3A_51 : i32
      scf.if %cond3A_52 {
        %dma_start3A_53 = arith.constant 0 : i32
        %dma_start3A_54 = tpu.memref_slice %arg7[%add3A_47, %dma_start3A_53] : memref<80x128xi32, #tpu.memory_space<vmem>> -> memref<1x128xi32, #tpu.memory_space<vmem>>
        %dma_start3A_55 = tpu.memref_squeeze %dma_start3A_54 : memref<1x128xi32, #tpu.memory_space<vmem>> -> memref<128xi32, #tpu.memory_space<vmem>>
        %dma_start3A_56 = arith.constant 0 : i32
        %dma_start3A_57 = arith.constant 0 : i32
        %dma_start3A_58 = tpu.memref_slice %arg2[%dma_start3A_56, %dma_start3A_57] : memref<10000x64xf32, #tpu.memory_space<hbm>> -> memref<10000x64xf32, #tpu.memory_space<hbm>>
        tpu.enqueue_indirect_dma source(%dma_start3A_58 : memref<10000x64xf32, #tpu.memory_space<hbm>>) target(%arg10 : memref<128x64xf32, #tpu.memory_space<vmem>>) offsets(%dma_start3A_55 : memref<128xi32, #tpu.memory_space<vmem>>) semaphore(%arg12 : memref<!tpu.dma_semaphore, #tpu.memory_space<semaphore_mem>>)
      } else {
      }
      "tpu.region"() ({
        %run_scoped3A = tpu.sem_alloc : memref<!tpu.dma_semaphore, #tpu.memory_space<semaphore_mem>>
        %dma_start3A_53 = arith.constant 0 : i32
        %dma_start3A_54 = tpu.memref_slice %arg8[%add3A_39, %dma_start3A_53] : memref<80x128xi32, #tpu.memory_space<vmem>> -> memref<1x128xi32, #tpu.memory_space<vmem>>
        %dma_start3A_55 = tpu.memref_squeeze %dma_start3A_54 : memref<1x128xi32, #tpu.memory_space<vmem>> -> memref<128xi32, #tpu.memory_space<vmem>>
        %dma_start3A_56 = arith.constant 0 : i32
        %dma_start3A_57 = arith.constant 0 : i32
        %dma_start3A_58 = tpu.memref_slice %arg13[%dma_start3A_56, %dma_start3A_57] : memref<10112x64xf32, #tpu.memory_space<vmem_shared>> -> memref<10112x64xf32, #tpu.memory_space<vmem_shared>>
        tpu.enqueue_indirect_dma source(%arg10 : memref<128x64xf32, #tpu.memory_space<vmem>>) target(%dma_start3A_58 : memref<10112x64xf32, #tpu.memory_space<vmem_shared>>) offsets(%dma_start3A_55 : memref<128xi32, #tpu.memory_space<vmem>>) semaphore(%run_scoped3A : memref<!tpu.dma_semaphore, #tpu.memory_space<semaphore_mem>>) {add = true}
        %dma_wait3A_59 = arith.constant 0 : i32
        %dma_wait3A_60 = tpu.memref_slice %arg8[%add3A_39, %dma_wait3A_59] : memref<80x128xi32, #tpu.memory_space<vmem>> -> memref<1x128xi32, #tpu.memory_space<vmem>>
        %dma_wait3A_61 = tpu.memref_squeeze %dma_wait3A_60 : memref<1x128xi32, #tpu.memory_space<vmem>> -> memref<128xi32, #tpu.memory_space<vmem>>
        %dma_wait3A_62 = arith.constant 0 : i32
        %dma_wait3A_63 = arith.constant 0 : i32
        %dma_wait3A_64 = tpu.memref_slice %arg13[%dma_wait3A_62, %dma_wait3A_63] : memref<10112x64xf32, #tpu.memory_space<vmem_shared>> -> memref<10112x64xf32, #tpu.memory_space<vmem_shared>>
        tpu.wait_indirect_dma semaphore(%run_scoped3A : memref<!tpu.dma_semaphore, #tpu.memory_space<semaphore_mem>>) src(%arg10 : memref<128x64xf32, #tpu.memory_space<vmem>>) dst(%dma_wait3A_64 : memref<10112x64xf32, #tpu.memory_space<vmem_shared>>)
        tpu.yield
      }) : () -> ()
    }
    %scan3A_22 = arith.constant 40 : i32
    %barrier3A_23 = arith.constant 0 : index
    tpu.barrier barrier_id(%barrier3A_23)
    "tpu.region"() ({
      %run_scoped3A = tpu.sem_alloc : memref<!tpu.dma_semaphore, #tpu.memory_space<semaphore_mem>>
      %dma_start3A_24 = arith.constant 0 : i32
      %dma_start3A_25 = tpu.memref_slice %arg6[%arg0, %mul3A_2, %dma_start3A_24] : memref<2x10112x64xf32, #tpu.memory_space<hbm>> -> memref<1x632x64xf32, #tpu.memory_space<hbm>>
      %dma_start3A_26 = tpu.memref_squeeze %dma_start3A_25 : memref<1x632x64xf32, #tpu.memory_space<hbm>> -> memref<632x64xf32, #tpu.memory_space<hbm>>
      %dma_start3A_27 = arith.constant 0 : i32
      %dma_start3A_28 = tpu.memref_slice %arg13[%mul3A_2, %dma_start3A_27] : memref<10112x64xf32, #tpu.memory_space<vmem_shared>> -> memref<632x64xf32, #tpu.memory_space<vmem_shared>>
      tpu.enqueue_dma source(%dma_start3A_28 : memref<632x64xf32, #tpu.memory_space<vmem_shared>>) target(%dma_start3A_26 : memref<632x64xf32, #tpu.memory_space<hbm>>) target_semaphore(%run_scoped3A : memref<!tpu.dma_semaphore, #tpu.memory_space<semaphore_mem>>)
      %dma_wait3A = arith.constant 0 : i32
      %dma_wait3A_29 = tpu.memref_slice %arg6[%arg0, %mul3A_2, %dma_wait3A] : memref<2x10112x64xf32, #tpu.memory_space<hbm>> -> memref<1x632x64xf32, #tpu.memory_space<hbm>>
      %dma_wait3A_30 = tpu.memref_squeeze %dma_wait3A_29 : memref<1x632x64xf32, #tpu.memory_space<hbm>> -> memref<632x64xf32, #tpu.memory_space<hbm>>
      %dma_wait3A_31 = arith.constant 0 : i32
      %dma_wait3A_32 = tpu.memref_slice %arg13[%mul3A_2, %dma_wait3A_31] : memref<10112x64xf32, #tpu.memory_space<vmem_shared>> -> memref<632x64xf32, #tpu.memory_space<vmem_shared>>
      tpu.wait_dma2 semaphore(%run_scoped3A : memref<!tpu.dma_semaphore, #tpu.memory_space<semaphore_mem>>) src(%dma_wait3A_32 : memref<632x64xf32, #tpu.memory_space<vmem_shared>>) dst(%dma_wait3A_30 : memref<632x64xf32, #tpu.memory_space<hbm>>)
      tpu.yield
    }) : () -> ()
    return
  }
}

module attributes {stable_mosaic.version = 14 : i64} {
  func.func @_enc1_body(%arg0: i32, %arg1: memref<2000x128xf32, #tpu.memory_space<vmem>>, %arg2: memref<128x64xf32, #tpu.memory_space<vmem>>, %arg3: memref<128x64xf32, #tpu.memory_space<vmem>>, %arg4: memref<64xf32, #tpu.memory_space<vmem>>, %arg5: memref<2000x64xf32, #tpu.memory_space<vmem>>, %arg6: memref<2000x64xf32, #tpu.memory_space<vmem>>) attributes {dimension_semantics = [#tpu.dimension_semantics<arbitrary>], iteration_bounds = array<i64: 5>, scalar_prefetch = 0 : i64, scratch_operands = 0 : i64, tpu.core_type = #tpu.core_type<tc>, window_params = [{transform_indices = @transform_0, window_bounds = array<i64: 2000, 128>}, {pipeline_mode = #tpu.pipeline_mode<synchronous>, transform_indices = @transform_1, window_bounds = array<i64: 128, 64>}, {pipeline_mode = #tpu.pipeline_mode<synchronous>, transform_indices = @transform_2, window_bounds = array<i64: 128, 64>}, {pipeline_mode = #tpu.pipeline_mode<synchronous>, transform_indices = @transform_3, window_bounds = array<i64: 64>}, {transform_indices = @transform_4, window_bounds = array<i64: 2000, 64>}, {transform_indices = @transform_5, window_bounds = array<i64: 2000, 64>}]} {
    %get3A = arith.constant 0 : index
    %get3A_0 = arith.constant 0 : index
    %get3A_1 = vector.load %arg1[%get3A, %get3A_0] : memref<2000x128xf32, #tpu.memory_space<vmem>>, vector<2000x128xf32>
    %get3A_2 = arith.constant 0 : index
    %get3A_3 = arith.constant 0 : index
    %get3A_4 = vector.load %arg2[%get3A_2, %get3A_3] : memref<128x64xf32, #tpu.memory_space<vmem>>, vector<128x64xf32>
    %dot_general3A = arith.constant dense<0.000000e+00> : vector<2000x64xf32>
    %dot_general3A_5 = tpu.matmul %get3A_1, %get3A_4, %dot_general3A {dimension_numbers = #tpu.dot_dimension_numbers<[1], [0], [0], [1], [0, 0, 1, 1], [], []>, transpose_lhs_hint = false} : vector<2000x128xf32>, vector<128x64xf32>, vector<2000x64xf32> -> vector<2000x64xf32>
    %swap3A = arith.constant 0 : index
    %swap3A_6 = arith.constant 0 : index
    %swap3A_7 = vector.load %arg5[%swap3A, %swap3A_6] : memref<2000x64xf32, #tpu.memory_space<vmem>>, vector<2000x64xf32>
    tpu.vector_store %arg5[%swap3A, %swap3A_6], %dot_general3A_5 {strides = array<i32>} : memref<2000x64xf32, #tpu.memory_space<vmem>>, vector<2000x64xf32>,
    %get3A_8 = arith.constant 0 : index
    %get3A_9 = arith.constant 0 : index
    %get3A_10 = vector.load %arg3[%get3A_8, %get3A_9] : memref<128x64xf32, #tpu.memory_space<vmem>>, vector<128x64xf32>
    %dot_general3A_11 = arith.constant dense<0.000000e+00> : vector<2000x64xf32>
    %dot_general3A_12 = tpu.matmul %get3A_1, %get3A_10, %dot_general3A_11 {dimension_numbers = #tpu.dot_dimension_numbers<[1], [0], [0], [1], [0, 0, 1, 1], [], []>, transpose_lhs_hint = false} : vector<2000x128xf32>, vector<128x64xf32>, vector<2000x64xf32> -> vector<2000x64xf32>
    %get3A_13 = arith.constant 0 : index
    %get3A_14 = vector.load %arg4[%get3A_13] : memref<64xf32, #tpu.memory_space<vmem>>, vector<64xf32>
    %broadcast_in_dim3A = vector.shape_cast %get3A_14 : vector<64xf32> to vector<1x64xf32>
    %add3A = vector.broadcast %broadcast_in_dim3A : vector<1x64xf32> to vector<2000x64xf32>
    %add3A_15 = arith.addf %dot_general3A_12, %add3A : vector<2000x64xf32>
    %swap3A_16 = arith.constant 0 : index
    %swap3A_17 = arith.constant 0 : index
    %swap3A_18 = vector.load %arg6[%swap3A_16, %swap3A_17] : memref<2000x64xf32, #tpu.memory_space<vmem>>, vector<2000x64xf32>
    tpu.vector_store %arg6[%swap3A_16, %swap3A_17], %add3A_15 {strides = array<i32>} : memref<2000x64xf32, #tpu.memory_space<vmem>>, vector<2000x64xf32>,
    return
  }
  func.func @transform_0(%arg0: i32) -> (i32, i32) {
    %c0_i32 = arith.constant 0 : i32
    %c0_i32_0 = arith.constant 0 : i32
    return %arg0, %c0_i32 : i32, i32
  }
  func.func @transform_1(%arg0: i32) -> (i32, i32) {
    %c0_i32 = arith.constant 0 : i32
    %c0_i32_0 = arith.constant 0 : i32
    %c0_i32_1 = arith.constant 0 : i32
    return %c0_i32, %c0_i32_0 : i32, i32
  }
  func.func @transform_2(%arg0: i32) -> (i32, i32) {
    %c0_i32 = arith.constant 0 : i32
    %c0_i32_0 = arith.constant 0 : i32
    %c0_i32_1 = arith.constant 0 : i32
    return %c0_i32, %c0_i32_0 : i32, i32
  }
  func.func @transform_3(%arg0: i32) -> i32 {
    %c0_i32 = arith.constant 0 : i32
    %c0_i32_0 = arith.constant 0 : i32
    return %c0_i32 : i32
  }
  func.func @transform_4(%arg0: i32) -> (i32, i32) {
    %c0_i32 = arith.constant 0 : i32
    %c0_i32_0 = arith.constant 0 : i32
    return %arg0, %c0_i32 : i32, i32
  }
  func.func @transform_5(%arg0: i32) -> (i32, i32) {
    %c0_i32 = arith.constant 0 : i32
    %c0_i32_0 = arith.constant 0 : i32
    return %arg0, %c0_i32 : i32, i32
  }
}

module attributes {stable_mosaic.version = 14 : i64} {
  func.func @_dec_body(%arg0: i32, %arg1: memref<2x2000x64xf32, #tpu.memory_space<vmem>>, %arg2: memref<2000x1xf32, #tpu.memory_space<vmem>>, %arg3: memref<2000x64xf32, #tpu.memory_space<vmem>>, %arg4: memref<64x64xf32, #tpu.memory_space<vmem>>, %arg5: memref<64x64xf32, #tpu.memory_space<vmem>>, %arg6: memref<64xf32, #tpu.memory_space<vmem>>, %arg7: memref<64x128xf32, #tpu.memory_space<vmem>>, %arg8: memref<128xf32, #tpu.memory_space<vmem>>, %arg9: memref<2000x64xf32, #tpu.memory_space<vmem>>, %arg10: memref<2000x64xf32, #tpu.memory_space<vmem>>, %arg11: memref<2000x128xf32, #tpu.memory_space<vmem>>) attributes {dimension_semantics = [#tpu.dimension_semantics<arbitrary>], iteration_bounds = array<i64: 5>, scalar_prefetch = 0 : i64, scratch_operands = 0 : i64, tpu.core_type = #tpu.core_type<tc>, window_params = [{transform_indices = @transform_0, window_bounds = array<i64: 2, 2000, 64>}, {transform_indices = @transform_1, window_bounds = array<i64: 2000, 1>}, {transform_indices = @transform_2, window_bounds = array<i64: 2000, 64>}, {pipeline_mode = #tpu.pipeline_mode<synchronous>, transform_indices = @transform_3, window_bounds = array<i64: 64, 64>}, {pipeline_mode = #tpu.pipeline_mode<synchronous>, transform_indices = @transform_4, window_bounds = array<i64: 64, 64>}, {pipeline_mode = #tpu.pipeline_mode<synchronous>, transform_indices = @transform_5, window_bounds = array<i64: 64>}, {pipeline_mode = #tpu.pipeline_mode<synchronous>, transform_indices = @transform_6, window_bounds = array<i64: 64, 128>}, {pipeline_mode = #tpu.pipeline_mode<synchronous>, transform_indices = @transform_7, window_bounds = array<i64: 128>}, {transform_indices = @transform_8, window_bounds = array<i64: 2000, 64>}, {transform_indices = @transform_9, window_bounds = array<i64: 2000, 64>}, {transform_indices = @transform_10, window_bounds = array<i64: 2000, 128>}]} {
    %get3A = arith.constant 0 : index
    %get3A_0 = arith.constant 0 : index
    %get3A_1 = arith.constant 0 : index
    %get3A_2 = vector.load %arg1[%get3A, %get3A_0, %get3A_1] : memref<2x2000x64xf32, #tpu.memory_space<vmem>>, vector<1x2000x64xf32>
    %get3A_3 = vector.shape_cast %get3A_2 : vector<1x2000x64xf32> to vector<2000x64xf32>
    %get3A_4 = arith.constant 1 : index
    %get3A_5 = arith.constant 0 : index
    %get3A_6 = arith.constant 0 : index
    %get3A_7 = vector.load %arg1[%get3A_4, %get3A_5, %get3A_6] : memref<2x2000x64xf32, #tpu.memory_space<vmem>>, vector<1x2000x64xf32>
    %get3A_8 = vector.shape_cast %get3A_7 : vector<1x2000x64xf32> to vector<2000x64xf32>
    %add3A = arith.addf %get3A_3, %get3A_8 : vector<2000x64xf32>
    %get3A_9 = arith.constant 0 : index
    %get3A_10 = arith.constant 0 : index
    %get3A_11 = vector.load %arg2[%get3A_9, %get3A_10] : memref<2000x1xf32, #tpu.memory_space<vmem>>, vector<2000x1xf32>
    %max3A = arith.constant 1.000000e+00 : f32
    %max3A_12 = vector.broadcast %max3A : f32 to vector<2000x1xf32>
    %max3A_13 = arith.maximumf %get3A_11, %max3A_12 : vector<2000x1xf32>
    %div3A = vector.broadcast %max3A_13 : vector<2000x1xf32> to vector<2000x64xf32>
    %div3A_14 = arith.divf %add3A, %div3A : vector<2000x64xf32>
    %get3A_15 = arith.constant 0 : index
    %get3A_16 = arith.constant 0 : index
    %get3A_17 = vector.load %arg3[%get3A_15, %get3A_16] : memref<2000x64xf32, #tpu.memory_space<vmem>>, vector<2000x64xf32>
    %add3A_18 = arith.addf %div3A_14, %get3A_17 : vector<2000x64xf32>
    %max3A_19 = arith.constant 0.000000e+00 : f32
    %max3A_20 = vector.broadcast %max3A_19 : f32 to vector<2000x64xf32>
    %max3A_21 = arith.maximumf %add3A_18, %max3A_20 : vector<2000x64xf32>
    %get3A_22 = arith.constant 0 : index
    %get3A_23 = arith.constant 0 : index
    %get3A_24 = vector.load %arg4[%get3A_22, %get3A_23] : memref<64x64xf32, #tpu.memory_space<vmem>>, vector<64x64xf32>
    %dot_general3A = arith.constant dense<0.000000e+00> : vector<2000x64xf32>
    %dot_general3A_25 = tpu.matmul %max3A_21, %get3A_24, %dot_general3A {dimension_numbers = #tpu.dot_dimension_numbers<[1], [0], [0], [1], [0, 0, 1, 1], [], []>, transpose_lhs_hint = false} : vector<2000x64xf32>, vector<64x64xf32>, vector<2000x64xf32> -> vector<2000x64xf32>
    %swap3A = arith.constant 0 : index
    %swap3A_26 = arith.constant 0 : index
    %swap3A_27 = vector.load %arg9[%swap3A, %swap3A_26] : memref<2000x64xf32, #tpu.memory_space<vmem>>, vector<2000x64xf32>
    tpu.vector_store %arg9[%swap3A, %swap3A_26], %dot_general3A_25 {strides = array<i32>} : memref<2000x64xf32, #tpu.memory_space<vmem>>, vector<2000x64xf32>,
    %get3A_28 = arith.constant 0 : index
    %get3A_29 = arith.constant 0 : index
    %get3A_30 = vector.load %arg5[%get3A_28, %get3A_29] : memref<64x64xf32, #tpu.memory_space<vmem>>, vector<64x64xf32>
    %dot_general3A_31 = arith.constant dense<0.000000e+00> : vector<2000x64xf32>
    %dot_general3A_32 = tpu.matmul %max3A_21, %get3A_30, %dot_general3A_31 {dimension_numbers = #tpu.dot_dimension_numbers<[1], [0], [0], [1], [0, 0, 1, 1], [], []>, transpose_lhs_hint = false} : vector<2000x64xf32>, vector<64x64xf32>, vector<2000x64xf32> -> vector<2000x64xf32>
    %get3A_33 = arith.constant 0 : index
    %get3A_34 = vector.load %arg6[%get3A_33] : memref<64xf32, #tpu.memory_space<vmem>>, vector<64xf32>
    %broadcast_in_dim3A = vector.shape_cast %get3A_34 : vector<64xf32> to vector<1x64xf32>
    %add3A_35 = vector.broadcast %broadcast_in_dim3A : vector<1x64xf32> to vector<2000x64xf32>
    %add3A_36 = arith.addf %dot_general3A_32, %add3A_35 : vector<2000x64xf32>
    %swap3A_37 = arith.constant 0 : index
    %swap3A_38 = arith.constant 0 : index
    %swap3A_39 = vector.load %arg10[%swap3A_37, %swap3A_38] : memref<2000x64xf32, #tpu.memory_space<vmem>>, vector<2000x64xf32>
    tpu.vector_store %arg10[%swap3A_37, %swap3A_38], %add3A_36 {strides = array<i32>} : memref<2000x64xf32, #tpu.memory_space<vmem>>, vector<2000x64xf32>,
    %get3A_40 = arith.constant 0 : index
    %get3A_41 = arith.constant 0 : index
    %get3A_42 = vector.load %arg7[%get3A_40, %get3A_41] : memref<64x128xf32, #tpu.memory_space<vmem>>, vector<64x128xf32>
    %dot_general3A_43 = arith.constant dense<0.000000e+00> : vector<2000x128xf32>
    %dot_general3A_44 = tpu.matmul %max3A_21, %get3A_42, %dot_general3A_43 {dimension_numbers = #tpu.dot_dimension_numbers<[1], [0], [0], [1], [0, 0, 1, 1], [], []>, transpose_lhs_hint = false} : vector<2000x64xf32>, vector<64x128xf32>, vector<2000x128xf32> -> vector<2000x128xf32>
    %get3A_45 = arith.constant 0 : index
    %get3A_46 = vector.load %arg8[%get3A_45] : memref<128xf32, #tpu.memory_space<vmem>>, vector<128xf32>
    %broadcast_in_dim3A_47 = vector.shape_cast %get3A_46 : vector<128xf32> to vector<1x128xf32>
    %add3A_48 = vector.broadcast %broadcast_in_dim3A_47 : vector<1x128xf32> to vector<2000x128xf32>
    %add3A_49 = arith.addf %dot_general3A_44, %add3A_48 : vector<2000x128xf32>
    %swap3A_50 = arith.constant 0 : index
    %swap3A_51 = arith.constant 0 : index
    %swap3A_52 = vector.load %arg11[%swap3A_50, %swap3A_51] : memref<2000x128xf32, #tpu.memory_space<vmem>>, vector<2000x128xf32>
    tpu.vector_store %arg11[%swap3A_50, %swap3A_51], %add3A_49 {strides = array<i32>} : memref<2000x128xf32, #tpu.memory_space<vmem>>, vector<2000x128xf32>,
    return
  }
  func.func @transform_0(%arg0: i32) -> (i32, i32, i32) {
    %c0_i32 = arith.constant 0 : i32
    %c0_i32_0 = arith.constant 0 : i32
    %c0_i32_1 = arith.constant 0 : i32
    return %c0_i32, %arg0, %c0_i32_0 : i32, i32, i32
  }
  func.func @transform_1(%arg0: i32) -> (i32, i32) {
    %c0_i32 = arith.constant 0 : i32
    %c0_i32_0 = arith.constant 0 : i32
    return %arg0, %c0_i32 : i32, i32
  }
  func.func @transform_2(%arg0: i32) -> (i32, i32) {
    %c0_i32 = arith.constant 0 : i32
    %c0_i32_0 = arith.constant 0 : i32
    return %arg0, %c0_i32 : i32, i32
  }
  func.func @transform_3(%arg0: i32) -> (i32, i32) {
    %c0_i32 = arith.constant 0 : i32
    %c0_i32_0 = arith.constant 0 : i32
    %c0_i32_1 = arith.constant 0 : i32
    return %c0_i32, %c0_i32_0 : i32, i32
  }
  func.func @transform_4(%arg0: i32) -> (i32, i32) {
    %c0_i32 = arith.constant 0 : i32
    %c0_i32_0 = arith.constant 0 : i32
    %c0_i32_1 = arith.constant 0 : i32
    return %c0_i32, %c0_i32_0 : i32, i32
  }
  func.func @transform_5(%arg0: i32) -> i32 {
    %c0_i32 = arith.constant 0 : i32
    %c0_i32_0 = arith.constant 0 : i32
    return %c0_i32 : i32
  }
  func.func @transform_6(%arg0: i32) -> (i32, i32) {
    %c0_i32 = arith.constant 0 : i32
    %c0_i32_0 = arith.constant 0 : i32
    %c0_i32_1 = arith.constant 0 : i32
    return %c0_i32, %c0_i32_0 : i32, i32
  }
  func.func @transform_7(%arg0: i32) -> i32 {
    %c0_i32 = arith.constant 0 : i32
    %c0_i32_0 = arith.constant 0 : i32
    return %c0_i32 : i32
  }
  func.func @transform_8(%arg0: i32) -> (i32, i32) {
    %c0_i32 = arith.constant 0 : i32
    %c0_i32_0 = arith.constant 0 : i32
    return %arg0, %c0_i32 : i32, i32
  }
  func.func @transform_9(%arg0: i32) -> (i32, i32) {
    %c0_i32 = arith.constant 0 : i32
    %c0_i32_0 = arith.constant 0 : i32
    return %arg0, %c0_i32 : i32, i32
  }
  func.func @transform_10(%arg0: i32) -> (i32, i32) {
    %c0_i32 = arith.constant 0 : i32
    %c0_i32_0 = arith.constant 0 : i32
    return %arg0, %c0_i32 : i32, i32
  }
}

module attributes {stable_mosaic.version = 14 : i64} {
  func.func @_mid_body(%arg0: i32, %arg1: memref<2x2000x64xf32, #tpu.memory_space<vmem>>, %arg2: memref<2x2000x16xf32, #tpu.memory_space<vmem>>, %arg3: memref<2000x64xf32, #tpu.memory_space<vmem>>, %arg4: memref<64x64xf32, #tpu.memory_space<vmem>>, %arg5: memref<64x64xf32, #tpu.memory_space<vmem>>, %arg6: memref<64xf32, #tpu.memory_space<vmem>>, %arg7: memref<2000x64xf32, #tpu.memory_space<vmem>>, %arg8: memref<2000x64xf32, #tpu.memory_space<vmem>>, %arg9: memref<2000x1xf32, #tpu.memory_space<vmem>>) attributes {dimension_semantics = [#tpu.dimension_semantics<arbitrary>], iteration_bounds = array<i64: 5>, scalar_prefetch = 0 : i64, scratch_operands = 0 : i64, tpu.core_type = #tpu.core_type<tc>, window_params = [{transform_indices = @transform_0, window_bounds = array<i64: 2, 2000, 64>}, {transform_indices = @transform_1, window_bounds = array<i64: 2, 2000, 16>}, {transform_indices = @transform_2, window_bounds = array<i64: 2000, 64>}, {pipeline_mode = #tpu.pipeline_mode<synchronous>, transform_indices = @transform_3, window_bounds = array<i64: 64, 64>}, {pipeline_mode = #tpu.pipeline_mode<synchronous>, transform_indices = @transform_4, window_bounds = array<i64: 64, 64>}, {pipeline_mode = #tpu.pipeline_mode<synchronous>, transform_indices = @transform_5, window_bounds = array<i64: 64>}, {transform_indices = @transform_6, window_bounds = array<i64: 2000, 64>}, {transform_indices = @transform_7, window_bounds = array<i64: 2000, 64>}, {transform_indices = @transform_8, window_bounds = array<i64: 2000, 1>}]} {
    %get3A = arith.constant 0 : index
    %get3A_0 = arith.constant 0 : index
    %get3A_1 = arith.constant 0 : index
    %get3A_2 = vector.load %arg1[%get3A, %get3A_0, %get3A_1] : memref<2x2000x64xf32, #tpu.memory_space<vmem>>, vector<1x2000x64xf32>
    %get3A_3 = vector.shape_cast %get3A_2 : vector<1x2000x64xf32> to vector<2000x64xf32>
    %get3A_4 = arith.constant 1 : index
    %get3A_5 = arith.constant 0 : index
    %get3A_6 = arith.constant 0 : index
    %get3A_7 = vector.load %arg1[%get3A_4, %get3A_5, %get3A_6] : memref<2x2000x64xf32, #tpu.memory_space<vmem>>, vector<1x2000x64xf32>
    %get3A_8 = vector.shape_cast %get3A_7 : vector<1x2000x64xf32> to vector<2000x64xf32>
    %add3A = arith.addf %get3A_3, %get3A_8 : vector<2000x64xf32>
    %get3A_9 = arith.constant 0 : index
    %get3A_10 = arith.constant 0 : index
    %get3A_11 = arith.constant 0 : index
    %get3A_12 = vector.load %arg2[%get3A_9, %get3A_10, %get3A_11] : memref<2x2000x16xf32, #tpu.memory_space<vmem>>, vector<1x2000x16xf32>
    %get3A_13 = vector.shape_cast %get3A_12 : vector<1x2000x16xf32> to vector<2000x16xf32>
    %get3A_14 = arith.constant 1 : index
    %get3A_15 = arith.constant 0 : index
    %get3A_16 = arith.constant 0 : index
    %get3A_17 = vector.load %arg2[%get3A_14, %get3A_15, %get3A_16] : memref<2x2000x16xf32, #tpu.memory_space<vmem>>, vector<1x2000x16xf32>
    %get3A_18 = vector.shape_cast %get3A_17 : vector<1x2000x16xf32> to vector<2000x16xf32>
    %add3A_19 = arith.addf %get3A_13, %get3A_18 : vector<2000x16xf32>
    %slice3A = vector.extract_strided_slice %add3A_19 {offsets = [0, 0], sizes = [2000, 1], strides = [1, 1]} : vector<2000x16xf32> to vector<2000x1xf32>
    %max3A = arith.constant 1.000000e+00 : f32
    %max3A_20 = vector.broadcast %max3A : f32 to vector<2000x1xf32>
    %max3A_21 = arith.maximumf %slice3A, %max3A_20 : vector<2000x1xf32>
    %div3A = vector.broadcast %max3A_21 : vector<2000x1xf32> to vector<2000x64xf32>
    %div3A_22 = arith.divf %add3A, %div3A : vector<2000x64xf32>
    %get3A_23 = arith.constant 0 : index
    %get3A_24 = arith.constant 0 : index
    %get3A_25 = vector.load %arg3[%get3A_23, %get3A_24] : memref<2000x64xf32, #tpu.memory_space<vmem>>, vector<2000x64xf32>
    %add3A_26 = arith.addf %div3A_22, %get3A_25 : vector<2000x64xf32>
    %max3A_27 = arith.constant 0.000000e+00 : f32
    %max3A_28 = vector.broadcast %max3A_27 : f32 to vector<2000x64xf32>
    %max3A_29 = arith.maximumf %add3A_26, %max3A_28 : vector<2000x64xf32>
    %get3A_30 = arith.constant 0 : index
    %get3A_31 = arith.constant 0 : index
    %get3A_32 = vector.load %arg4[%get3A_30, %get3A_31] : memref<64x64xf32, #tpu.memory_space<vmem>>, vector<64x64xf32>
    %dot_general3A = arith.constant dense<0.000000e+00> : vector<2000x64xf32>
    %dot_general3A_33 = tpu.matmul %max3A_29, %get3A_32, %dot_general3A {dimension_numbers = #tpu.dot_dimension_numbers<[1], [0], [0], [1], [0, 0, 1, 1], [], []>, transpose_lhs_hint = false} : vector<2000x64xf32>, vector<64x64xf32>, vector<2000x64xf32> -> vector<2000x64xf32>
    %swap3A = arith.constant 0 : index
    %swap3A_34 = arith.constant 0 : index
    %swap3A_35 = vector.load %arg7[%swap3A, %swap3A_34] : memref<2000x64xf32, #tpu.memory_space<vmem>>, vector<2000x64xf32>
    tpu.vector_store %arg7[%swap3A, %swap3A_34], %dot_general3A_33 {strides = array<i32>} : memref<2000x64xf32, #tpu.memory_space<vmem>>, vector<2000x64xf32>,
    %get3A_36 = arith.constant 0 : index
    %get3A_37 = arith.constant 0 : index
    %get3A_38 = vector.load %arg5[%get3A_36, %get3A_37] : memref<64x64xf32, #tpu.memory_space<vmem>>, vector<64x64xf32>
    %dot_general3A_39 = arith.constant dense<0.000000e+00> : vector<2000x64xf32>
    %dot_general3A_40 = tpu.matmul %max3A_29, %get3A_38, %dot_general3A_39 {dimension_numbers = #tpu.dot_dimension_numbers<[1], [0], [0], [1], [0, 0, 1, 1], [], []>, transpose_lhs_hint = false} : vector<2000x64xf32>, vector<64x64xf32>, vector<2000x64xf32> -> vector<2000x64xf32>
    %get3A_41 = arith.constant 0 : index
    %get3A_42 = vector.load %arg6[%get3A_41] : memref<64xf32, #tpu.memory_space<vmem>>, vector<64xf32>
    %broadcast_in_dim3A = vector.shape_cast %get3A_42 : vector<64xf32> to vector<1x64xf32>
    %add3A_43 = vector.broadcast %broadcast_in_dim3A : vector<1x64xf32> to vector<2000x64xf32>
    %add3A_44 = arith.addf %dot_general3A_40, %add3A_43 : vector<2000x64xf32>
    %swap3A_45 = arith.constant 0 : index
    %swap3A_46 = arith.constant 0 : index
    %swap3A_47 = vector.load %arg8[%swap3A_45, %swap3A_46] : memref<2000x64xf32, #tpu.memory_space<vmem>>, vector<2000x64xf32>
    tpu.vector_store %arg8[%swap3A_45, %swap3A_46], %add3A_44 {strides = array<i32>} : memref<2000x64xf32, #tpu.memory_space<vmem>>, vector<2000x64xf32>,
    %swap3A_48 = arith.constant 0 : index
    %swap3A_49 = arith.constant 0 : index
    %swap3A_50 = vector.load %arg9[%swap3A_48, %swap3A_49] : memref<2000x1xf32, #tpu.memory_space<vmem>>, vector<2000x1xf32>
    tpu.vector_store %arg9[%swap3A_48, %swap3A_49], %slice3A {strides = array<i32>} : memref<2000x1xf32, #tpu.memory_space<vmem>>, vector<2000x1xf32>,
    return
  }
  func.func @transform_0(%arg0: i32) -> (i32, i32, i32) {
    %c0_i32 = arith.constant 0 : i32
    %c0_i32_0 = arith.constant 0 : i32
    %c0_i32_1 = arith.constant 0 : i32
    return %c0_i32, %arg0, %c0_i32_0 : i32, i32, i32
  }
  func.func @transform_1(%arg0: i32) -> (i32, i32, i32) {
    %c0_i32 = arith.constant 0 : i32
    %c0_i32_0 = arith.constant 0 : i32
    %c0_i32_1 = arith.constant 0 : i32
    return %c0_i32, %arg0, %c0_i32_0 : i32, i32, i32
  }
  func.func @transform_2(%arg0: i32) -> (i32, i32) {
    %c0_i32 = arith.constant 0 : i32
    %c0_i32_0 = arith.constant 0 : i32
    return %arg0, %c0_i32 : i32, i32
  }
  func.func @transform_3(%arg0: i32) -> (i32, i32) {
    %c0_i32 = arith.constant 0 : i32
    %c0_i32_0 = arith.constant 0 : i32
    %c0_i32_1 = arith.constant 0 : i32
    return %c0_i32, %c0_i32_0 : i32, i32
  }
  func.func @transform_4(%arg0: i32) -> (i32, i32) {
    %c0_i32 = arith.constant 0 : i32
    %c0_i32_0 = arith.constant 0 : i32
    %c0_i32_1 = arith.constant 0 : i32
    return %c0_i32, %c0_i32_0 : i32, i32
  }
  func.func @transform_5(%arg0: i32) -> i32 {
    %c0_i32 = arith.constant 0 : i32
    %c0_i32_0 = arith.constant 0 : i32
    return %c0_i32 : i32
  }
  func.func @transform_6(%arg0: i32) -> (i32, i32) {
    %c0_i32 = arith.constant 0 : i32
    %c0_i32_0 = arith.constant 0 : i32
    return %arg0, %c0_i32 : i32, i32
  }
  func.func @transform_7(%arg0: i32) -> (i32, i32) {
    %c0_i32 = arith.constant 0 : i32
    %c0_i32_0 = arith.constant 0 : i32
    return %arg0, %c0_i32 : i32, i32
  }
  func.func @transform_8(%arg0: i32) -> (i32, i32) {
    %c0_i32 = arith.constant 0 : i32
    %c0_i32_0 = arith.constant 0 : i32
    return %arg0, %c0_i32 : i32, i32
  }
}

module attributes {stable_mosaic.version = 14 : i64} {
  func.func @_hs_body(%arg0: i32, %arg1: memref<2x2000x64xf32, #tpu.memory_space<vmem>>, %arg2: memref<2000x1xf32, #tpu.memory_space<vmem>>, %arg3: memref<2000x64xf32, #tpu.memory_space<vmem>>, %arg4: memref<2000x64xf32, #tpu.memory_space<vmem>>) attributes {dimension_semantics = [#tpu.dimension_semantics<arbitrary>], iteration_bounds = array<i64: 5>, scalar_prefetch = 0 : i64, scratch_operands = 0 : i64, tpu.core_type = #tpu.core_type<tc>, window_params = [{transform_indices = @transform_0, window_bounds = array<i64: 2, 2000, 64>}, {transform_indices = @transform_1, window_bounds = array<i64: 2000, 1>}, {transform_indices = @transform_2, window_bounds = array<i64: 2000, 64>}, {transform_indices = @transform_3, window_bounds = array<i64: 2000, 64>}]} {
    %get3A = arith.constant 0 : index
    %get3A_0 = arith.constant 0 : index
    %get3A_1 = arith.constant 0 : index
    %get3A_2 = vector.load %arg1[%get3A, %get3A_0, %get3A_1] : memref<2x2000x64xf32, #tpu.memory_space<vmem>>, vector<1x2000x64xf32>
    %get3A_3 = vector.shape_cast %get3A_2 : vector<1x2000x64xf32> to vector<2000x64xf32>
    %get3A_4 = arith.constant 1 : index
    %get3A_5 = arith.constant 0 : index
    %get3A_6 = arith.constant 0 : index
    %get3A_7 = vector.load %arg1[%get3A_4, %get3A_5, %get3A_6] : memref<2x2000x64xf32, #tpu.memory_space<vmem>>, vector<1x2000x64xf32>
    %get3A_8 = vector.shape_cast %get3A_7 : vector<1x2000x64xf32> to vector<2000x64xf32>
    %add3A = arith.addf %get3A_3, %get3A_8 : vector<2000x64xf32>
    %get3A_9 = arith.constant 0 : index
    %get3A_10 = arith.constant 0 : index
    %get3A_11 = vector.load %arg2[%get3A_9, %get3A_10] : memref<2000x1xf32, #tpu.memory_space<vmem>>, vector<2000x1xf32>
    %max3A = arith.constant 1.000000e+00 : f32
    %max3A_12 = vector.broadcast %max3A : f32 to vector<2000x1xf32>
    %max3A_13 = arith.maximumf %get3A_11, %max3A_12 : vector<2000x1xf32>
    %div3A = vector.broadcast %max3A_13 : vector<2000x1xf32> to vector<2000x64xf32>
    %div3A_14 = arith.divf %add3A, %div3A : vector<2000x64xf32>
    %get3A_15 = arith.constant 0 : index
    %get3A_16 = arith.constant 0 : index
    %get3A_17 = vector.load %arg3[%get3A_15, %get3A_16] : memref<2000x64xf32, #tpu.memory_space<vmem>>, vector<2000x64xf32>
    %add3A_18 = arith.addf %div3A_14, %get3A_17 : vector<2000x64xf32>
    %max3A_19 = arith.constant 0.000000e+00 : f32
    %max3A_20 = vector.broadcast %max3A_19 : f32 to vector<2000x64xf32>
    %max3A_21 = arith.maximumf %add3A_18, %max3A_20 : vector<2000x64xf32>
    %swap3A = arith.constant 0 : index
    %swap3A_22 = arith.constant 0 : index
    %swap3A_23 = vector.load %arg4[%swap3A, %swap3A_22] : memref<2000x64xf32, #tpu.memory_space<vmem>>, vector<2000x64xf32>
    tpu.vector_store %arg4[%swap3A, %swap3A_22], %max3A_21 {strides = array<i32>} : memref<2000x64xf32, #tpu.memory_space<vmem>>, vector<2000x64xf32>,
    return
  }
  func.func @transform_0(%arg0: i32) -> (i32, i32, i32) {
    %c0_i32 = arith.constant 0 : i32
    %c0_i32_0 = arith.constant 0 : i32
    %c0_i32_1 = arith.constant 0 : i32
    return %c0_i32, %arg0, %c0_i32_0 : i32, i32, i32
  }
  func.func @transform_1(%arg0: i32) -> (i32, i32) {
    %c0_i32 = arith.constant 0 : i32
    %c0_i32_0 = arith.constant 0 : i32
    return %arg0, %c0_i32 : i32, i32
  }
  func.func @transform_2(%arg0: i32) -> (i32, i32) {
    %c0_i32 = arith.constant 0 : i32
    %c0_i32_0 = arith.constant 0 : i32
    return %arg0, %c0_i32 : i32, i32
  }
  func.func @transform_3(%arg0: i32) -> (i32, i32) {
    %c0_i32 = arith.constant 0 : i32
    %c0_i32_0 = arith.constant 0 : i32
    return %arg0, %c0_i32 : i32, i32
  }
}

module attributes {stable_mosaic.version = 14 : i64} {
  func.func @_gram_body(%arg0: i32, %arg1: i32, %arg2: memref<1024x64xf32, #tpu.memory_space<vmem>>, %arg3: memref<1024x64xf32, #tpu.memory_space<vmem>>, %arg4: memref<1024x1024xf32, #tpu.memory_space<vmem>>) attributes {dimension_semantics = [#tpu.dimension_semantics<arbitrary>, #tpu.dimension_semantics<arbitrary>], iteration_bounds = array<i64: 10, 10>, scalar_prefetch = 0 : i64, scratch_operands = 0 : i64, tpu.core_type = #tpu.core_type<tc>, window_params = [{transform_indices = @transform_0, window_bounds = array<i64: 1024, 64>}, {transform_indices = @transform_1, window_bounds = array<i64: 1024, 64>}, {transform_indices = @transform_2, window_bounds = array<i64: 1024, 1024>}]} {
    %get3A = arith.constant 0 : index
    %get3A_0 = arith.constant 0 : index
    %get3A_1 = vector.load %arg2[%get3A, %get3A_0] : memref<1024x64xf32, #tpu.memory_space<vmem>>, vector<1024x64xf32>
    %get3A_2 = arith.constant 0 : index
    %get3A_3 = arith.constant 0 : index
    %get3A_4 = vector.load %arg3[%get3A_2, %get3A_3] : memref<1024x64xf32, #tpu.memory_space<vmem>>, vector<1024x64xf32>
    %dot_general3A = arith.constant dense<0.000000e+00> : vector<1024x1024xf32>
    %dot_general3A_5 = tpu.matmul %get3A_1, %get3A_4, %dot_general3A {dimension_numbers = #tpu.dot_dimension_numbers<[1], [1], [0], [0], [0, 0, 1, 0], [], []>, transpose_lhs_hint = false} : vector<1024x64xf32>, vector<1024x64xf32>, vector<1024x1024xf32> -> vector<1024x1024xf32>
    %swap3A = arith.constant 0 : index
    %swap3A_6 = arith.constant 0 : index
    %swap3A_7 = vector.load %arg4[%swap3A, %swap3A_6] : memref<1024x1024xf32, #tpu.memory_space<vmem>>, vector<1024x1024xf32>
    tpu.vector_store %arg4[%swap3A, %swap3A_6], %dot_general3A_5 {strides = array<i32>} : memref<1024x1024xf32, #tpu.memory_space<vmem>>, vector<1024x1024xf32>,
    return
  }
  func.func @transform_0(%arg0: i32, %arg1: i32) -> (i32, i32) {
    %c0_i32 = arith.constant 0 : i32
    %c0_i32_0 = arith.constant 0 : i32
    return %arg0, %c0_i32 : i32, i32
  }
  func.func @transform_1(%arg0: i32, %arg1: i32) -> (i32, i32) {
    %c0_i32 = arith.constant 0 : i32
    %c0_i32_0 = arith.constant 0 : i32
    return %arg1, %c0_i32 : i32, i32
  }
  func.func @transform_2(%arg0: i32, %arg1: i32) -> (i32, i32) {
    %c0_i32 = arith.constant 0 : i32
    return %arg0, %arg1 : i32, i32
  }
}

</mosaic_0001>

<sc_bundles>
// kernel: kernel.10.cloned.1.call-start
scs
__scs_entry_jumppad:
0x0: {  	(pc) =	sbr.rel $0x88, $3  }
0x1: {  	(tag) =	ssettag $0x0;
	lr =	simm.s32 $0x1  }
0x2: {  	[smem:$0x3F94] =	sst lr;
	_ =	strace $0xD0000000  }
0x3: {  	_ = 	snop  }
0x4: {  	_ = 	snop  }
0x5: {  	_ = 	snop  }
0x6: {  	_ = 	snop  }
0x7: {  	_ = 	snop  }
__scs_overlays_trampoline_lowered:
0x8: {  	[smem:$0x3FA3] =	sst s0  }
0x9: {  	[smem:$0x3FA4] =	sst s1  }
0xa: {  	[smem:$0x3FA5] =	sst s2  }
0xb: {  	[smem:$0x3FA6] =	sst s3  }
0xc: {  	[smem:$0x3FA7] =	sst s4  }
0xd: {  	[smem:$0x3FA8] =	sst s5  }
0xe: {  	[smem:$0x3FA9] =	sst s6  }
0xf: {  	[smem:$0x3FAA] =	sst s7  }
0x10: {  	[smem:$0x3FAB] =	sst s8  }
0x11: {  	[smem:$0x3FAC] =	sst s9;
	s0 =	simm.s32 @!p0 $0x0  }
0x12: {  	s1 =	sld [smem:$0x3F92];
	s0 =	simm.s32 @p0 $0x1  }
0x13: {  	[smem:$0x3FAD] =	sst s0;
	s0 =	simm.s32 @!p1 $0x0  }
0x14: {  	s2 =	sld [smem:$0x3F91];
	s0 =	simm.s32 @p1 $0x1  }
0x15: {  	[smem:$0x3FAE] =	sst s0;
	s0 =	simm.s32 @!p2 $0x0  }
0x16: {  	s3 =	sld [smem:$0x3FDB];
	s0 =	simm.s32 @p2 $0x1  }
0x17: {  	s4 =	simm.s32 $0x1BF5;
	[smem:$0x3FB0] =	sst s0  }
0x18: {  	s0 =	sld [smem:$0x3F93];
	_ =	swait.ge [sflag:s4], $0x0  }
0x19: {  	s7 =	sld [smem:$0x3F94]  }
0x1a: {  	s8 =	sadd.s32 $0xFFFFE003, lr  }
0x1b: {  	s9 =	sadd.s32 $0xFFFFFEF7, lr;
	s5 =	simm.s32 $0xFFFFFFFF;
	p2 =	slt.u32 s8, $0xFFFFF086  }
0x1c: {  	p1 =	slt.u32 s9, $0xF7A;
	s5 =	simm.s32 @!p2 $0x0  }
0x1d: {  	s5 =	simm.s32 @p1 $0x1;
	p0 =	seq.s32 s7, s2  }
0x1e: {  	s7 =	smul.u32 @!p0 $0xF7A, s2;
	p2 =	seq.s32 @!p0 s5, $0x0  }
0x1f: {  	s9 =	smul.u32 $0xF7A, s1;
	s8 =	simm.s32 @!p0 $0x1BF5;
	p2 =	por !p2, p0  }
0x20: {  	[sflag:s8] =	ssyncset.s32 @!p0 $0xFFFFF086;
	s6 =	sadd.s32 @!p0 s3, s7;
	s7 =	simm.s32 @!p0 $0x108  }
0x21: {  	s3 =	sadd.s32 s3, s9;
	s6 =	sadd.s32 @!p0 $0x88, s6;
	s7 =	simm.s32 @p2 $0x1082  }
0x22: {  	[simem:s7], [sflag:s8] =	dma.local @!p0 [hbm:s6], $0xF7A  }
0x23: {  	s9 =	sor.u32 $0xD0000000, s2;
	s6 =	simm.s32 $0x108;
	_ =	swait.ge @!p0 [sflag:s8], $0x0  }
0x24: {  	s3 =	sadd.s32 $0x88, s3;
	s6 =	simm.s32 @!p1 $0x1082;
	[sflag:s4] =	ssyncset.s32 $0xFFFFF086  }
0x25: {  	[simem:s6], [sflag:s4] =	dma.local [hbm:s3], $0xF7A  }
0x26: {  	[smem:$0x3F94] =	sst s1;
	(tag) =	ssettag s2;
	_ =	strace s9  }
0x27: {  	s1 =	sld [smem:$0x3FA4]  }
0x28: {  	s2 =	sld [smem:$0x3FA5]  }
0x29: {  	s4 =	sld [smem:$0x3FA7]  }
0x2a: {  	p0 =	seq.s32 s5, $0x0;
	s5 =	sld [smem:$0x3FA8]  }
0x2b: {  	s6 =	sld [smem:$0x3FA9]  }
0x2c: {  	s7 =	sld [smem:$0x3FAA]  }
0x2d: {  	s3 =	simm.s32 $0x108;
	s8 =	sld [smem:$0x3FAB]  }
0x2e: {  	s3 =	simm.s32 @!p0 $0x1082;
	s9 =	sld [smem:$0x3FAC]  }
0x2f: {  	lr =	sadd.s32 s0, s3;
	s0 =	sld [smem:$0x3FA3]  }
0x30: {  	s3 =	sld [smem:$0x3FA6]  }
0x31: {  	[smem:$0x3FAF] =	sst s10  }
0x32: {  	s10 =	sld [smem:$0x3FAD];
	_ =	sdelay $0x3  }
0x33: {  	p0 =	seq.s32 s10, $0x1;
	s10 =	sld [smem:$0x3FAF];
	_ =	sdelay $0x3  }
0x34: {  	[smem:$0x3FAF] =	sst s10  }
0x35: {  	s10 =	sld [smem:$0x3FAE];
	_ =	sdelay $0x3  }
0x36: {  	p1 =	seq.s32 s10, $0x1;
	s10 =	sld [smem:$0x3FAF];
	_ =	sdelay $0x3  }
0x37: {  	[smem:$0x3FAF] =	sst s10  }
0x38: {  	s10 =	sld [smem:$0x3FB0]  }
0x39: {  	_ = 	snop;
	(pc) =	sbr.ind lr, $3  }
0x3a: {  	_ = 	snop  }
0x3b: {  	_ = 	snop  }
0x3c: {  	p2 =	seq.s32 s10, $0x1;
	s10 =	sld [smem:$0x3FAF]  }
0x3d: {  	_ =	shalt  }
0x3e: {  	_ =	shalt  }
0x3f: {  	_ =	shalt  }
0x40: {  	_ =	shalt  }
0x41: {  	_ =	shalt  }
0x42: {  	_ =	shalt  }
0x43: {  	_ =	shalt  }
0x44: {  	_ =	shalt  }
0x45: {  	_ =	shalt  }
0x46: {  	_ =	shalt  }
0x47: {  	_ =	shalt  }
0x48: {  	_ =	shalt  }
0x49: {  	_ =	shalt  }
0x4a: {  	_ =	shalt  }
0x4b: {  	_ =	shalt  }
0x4c: {  	_ =	shalt  }
0x4d: {  	_ =	shalt  }
0x4e: {  	_ =	shalt  }
0x4f: {  	_ =	shalt  }
0x50: {  	_ =	shalt  }
0x51: {  	_ =	shalt  }
0x52: {  	_ =	shalt  }
0x53: {  	_ =	shalt  }
0x54: {  	_ =	shalt  }
0x55: {  	_ =	shalt  }
0x56: {  	_ =	shalt  }
0x57: {  	_ =	shalt  }
0x58: {  	_ =	shalt  }
0x59: {  	_ =	shalt  }
0x5a: {  	_ =	shalt  }
0x5b: {  	_ =	shalt  }
0x5c: {  	_ =	shalt  }
0x5d: {  	_ =	shalt  }
0x5e: {  	_ =	shalt  }
0x5f: {  	_ =	shalt  }
0x60: {  	_ =	shalt  }
0x61: {  	_ =	shalt  }
0x62: {  	_ =	shalt  }
0x63: {  	_ =	shalt  }
0x64: {  	_ =	shalt  }
0x65: {  	_ =	shalt  }
0x66: {  	_ =	shalt  }
0x67: {  	_ =	shalt  }
0x68: {  	_ =	shalt  }
0x69: {  	_ =	shalt  }
0x6a: {  	_ =	shalt  }
0x6b: {  	_ =	shalt  }
0x6c: {  	_ =	shalt  }
0x6d: {  	_ =	shalt  }
0x6e: {  	_ =	shalt  }
0x6f: {  	_ =	shalt  }
0x70: {  	_ =	shalt  }
0x71: {  	_ =	shalt  }
0x72: {  	_ =	shalt  }
0x73: {  	_ =	shalt  }
0x74: {  	_ =	shalt  }
0x75: {  	_ =	shalt  }
0x76: {  	_ =	shalt  }
0x77: {  	_ =	shalt  }
0x78: {  	_ =	shalt  }
0x79: {  	_ =	shalt  }
0x7a: {  	_ =	shalt  }
0x7b: {  	_ =	shalt  }
0x7c: {  	_ =	shalt  }
0x7d: {  	_ =	shalt  }
0x7e: {  	_ =	shalt  }
0x7f: {  	_ =	shalt  }
0x80: {  	_ =	shalt  }
0x81: {  	_ =	shalt  }
0x82: {  	_ =	shalt  }
0x83: {  	_ =	shalt  }
0x84: {  	_ =	shalt  }
0x85: {  	_ =	shalt  }
0x86: {  	_ =	shalt  }
0x87: {  	_ =	shalt  }
.Lfunc_end0:
.L_simem_size_0:
called_computation_lowered:
.L_overlay_start_0:
0x88: {  	s2 =	sld [smem:$0x3FD9]  }
0x89: {  	s3 =	sld [smem:$0x3FFE];
	_ =	sdelay $0x1  }
0x8a: {  	s1 =	srdreg.scid  }
0x8b: {  	s0 =	sand.u32 $0x1, s1  }
0x8c: {  	s14 =	sshll.u32 s0, $0xA;
	s2 =	sadd.s32 s3, s2  }
0x8d: {  	s2 =	sadd.s32 s2, s14  }
0x8e: {  	[smem:$0x3FBB] =	sst s2  }
0x8f: {  	_ = 	snop  }
0x90: {  	s2 =	sld [smem:$0x3FD0];
	_ =	sdelay $0x2  }
0x91: {  	s15 =	simm.s32 $0xA;
	s4 =	simm.s32 $0x10  }
0x92: {  	[smem:s4], [sflag:s15] =	dma.local [hbm:s2], $0x1  }
0x93: {  	_ =	swait.eq [sflag:s15], $0x1  }
0x94: {  	[sflag:s15] =	ssyncset.done $0x0  }
0x95: {  	s16 =	sld [smem:$0x10];
	[sflag:s15] =	ssyncadd.s32 $0xFFFFFFFF  }
0x96: {  	s17 =	sld [smem:$0x11];
	(tm) =	ssettm $0x1  }
0x97: {  	s18 =	sld [smem:$0x3FFB];
	_ =	sdelay $0x3  }
0x98: {  	_ =	strace s18  }
0x99: {  	s4 =	sld [smem:$0x3FFC];
	_ =	sdelay $0x3  }
0x9a: {  	_ =	strace s4  }
0x9b: {  	s4 =	sld [smem:$0x3FFD];
	_ =	sdelay $0x3  }
0x9c: {  	_ =	strace s4  }
0x9d: {  	_ =	strace $0x8FFFFFFF  }
0x9e: {  	s19 =	sld [smem:$0x3FDB];
	_ =	sdelay $0x1  }
0x9f: {  	s5 =	simm.s32 $_scs_section_size  }
0xa0: {  	s6 =	simm.s32 $_size__tile_overlayer_lowered;
	s7 =	simm.s32 $_tile_overlayer_lowered  }
0xa1: {  	s22 =	simm.s32 $0x1BFF;
	s21 =	sshll.u32 s7, $0x1;
	s4 =	sadd.s32 s5, s19  }
0xa2: {  	s8 =	simm.s32 $0x0;
	s20 =	sshll.u32 s6, $0x1;
	s6 =	sadd.s32 s21, s4  }
0xa3: {  	[timem:s8], [sflag:s22] =	dma.local [hbm:s6], s20  }
0xa4: {  	_ =	swait.ge [sflag:s22], s20  }
0xa5: {  	s5 =	ssub.s32 $0x0, s20;
	[sflag:s22] =	ssyncset.done $0x0  }
0xa6: {  	[sflag:s22] =	ssyncadd.s32 s5;
	_ =	sdelay $0x1  }
0xa7: {  	s23 =	simm.s32 $0x1B8B  }
0xa8: {  	_ =	swait.ge [sflag:s23], $0x1  }
0xa9: {  	[sflag:s23] =	ssyncset.done $0x0  }
0xaa: {  	s25 =	simm.s32 $0x1B8E;
	s24 =	sld [smem:$0x3FFE];
	[sflag:s23] =	ssyncadd.s32 $0xFFFFFFFF  }
0xab: {  	s26 =	simm.s32 $execute0_lowered;
	[smem:$0x3FD2] =	sst s25  }
0xac: {  	s6 =	sshll.u32 s26, $0x1;
	_ =	strace $0x80000046;
	[dreg:$0x1] =	wrdreg $0xFFFFFFFF  }
0xad: {  	s28 =	simm.s32 $_size_execute0_lowered;
	s4 =	sadd.s32 s4, s6;
	[dreg:$0x0] =	wrdreg $0x0  }
0xae: {  	s6 =	sshll.u32 s28, $0x1;
	[dreg:$0x2] =	wrdreg s4  }
0xaf: {  	[dreg:$0x3] =	wrdreg s6  }
0xb0: {  	[dreg:$0x4] =	wrdreg $0xC0  }
0xb1: {  	_ =	task [dreg:s8], $0x5FFFF  }
0xb2: {  	[dreg:$0x1] =	wrdreg $0xFFFFFFFF  }
0xb3: {  	[dreg:$0x0] =	wrdreg $0x60  }
0xb4: {  	[dreg:$0x2] =	wrdreg s16  }
0xb5: {  	[dreg:$0x3] =	wrdreg s24  }
0xb6: {  	[dreg:$0x4] =	wrdreg s17  }
0xb7: {  	[dreg:$0x5] =	wrdreg $0x90000  }
0xb8: {  	[dreg:$0x6] =	wrdreg $0x136000  }
0xb9: {  	[dreg:$0x7] =	wrdreg $0x9  }
0xba: {  	_ =	task.clear_ibuf [dreg:s8], $0x8FFFF;
	_ =	strace $0x90000046  }
0xbb: {  	s29 =	simm.s32 $0x9;
	_ =	strace $0x80000048  }
0xbc: {  	_ =	swait.ge [sflag:s29], $0x1  }
0xbd: {  	[sflag:s29] =	ssyncadd.s32 $0xFFFFFFFF  }
0xbe: {  	_ =	strace $0x90000048  }
0xbf: {  	_ =	sfence  }
0xc0: {  	s30 =	sld [smem:$0x0];
	_ =	sdelay $0x2  }
0xc1: {  	s31 =	sshll.u32 s1, $0xD;
	s1 =	sshrl.u32 s1, $0x2  }
0xc2: {  	s3 =	sand.u32 $0x4000, s31;
	s1 =	sadd.s32 s1, s30  }
0xc3: {  	s0 =	sor.u32 s3, s0;
	s1 =	sshll.u32 s1, $0x11  }
0xc4: {  	s0 =	sor.u32 s1, s0  }
0xc5: {  	s0 =	sadd.s32 $0x8F2B, s0  }
0xc6: {  	[sflag:s0] =	ssyncadd.remote.s32 $0x1  }
0xc7: {  	_ =	sfence.sel $0xFFFF  }
0xc8: {  	[dreg:$0x0] =	wrdreg $0xFFFFFFFF;
	(pc) =	sbr.abs _section_cstart, $3  }
0xc9: {  	[dreg:$0x1] =	wrdreg $0xFFFFFFFF  }
0xca: {  	_ =	task.clear_ibuf [dreg:s8], $0x2FFFF;
	_ =	strace $0x9FFFFFFF  }
0xcb: {  	(tm) =	ssettm $0x7FFFFFFF  }
tec
execute0_lowered:
.L_overlay_start_1:
0x0: {  	(tag) =	ssettag $0x1  }
0x1: {  	s1 =	rddreg [dreg:$0x0]  }
0x2: {  	s7 =	rddreg [dreg:$0x1]  }
0x3: {  	s2 =	srdreg.scid;
	s9 =	rddreg [dreg:$0x2]  }
0x4: {  	s0 =	stileid.u32;
	s3 =	rddreg [dreg:$0x3]  }
0x5: {  	s4 =	rddreg [dreg:$0x4];
	s5 =	simm.s32 $0x0;
	s20 =	simm.s32 $0x80  }
0x6: {  	s21 =	simm.s32 $0x5000;
	s22 =	simm.s32 $0x7000;
	s23 =	simm.s32 $0x1  }
0x7: {  	s28 =	simm.s32 $0x0;
	s8 =	sand.u32 $0x1, s2;
	s10 =	smul.u32 $0x9E00, s0  }
0x8: {  	s24 =	sshll.u32 s0, $0x1;
	[smem:$0x7FF] =	sst s5;
	s12 =	smul.u32 $0x2780, s0  }
0x9: {  	s30 =	sshll.u32 s0, $0x6;
	s2 =	sor.u32 s8, s24;
	s11 =	smul.u32 $0x9E000, s8  }
0xa: {  	s14 =	smul.u32 $0x27800, s8;
	s8 =	ssub.s32 $0x2, s8;
	s24 =	simm.s32 $0x2  }
0xb: {  	s6 =	smul.u32 $0x500, s2;
	s2 =	rddreg [dreg:$0x5];
	_ =	strace $0x80000047  }
0xc: {  	s25 =	sshrl.u32 s10, $0x3;
	s29 =	sshrl.u32 s8, $0x1;
	s18 =	sadd.s32 s10, s3  }
0xd: {  	s31 =	sshrl.u32 s12, $0x3;
	s19 =	sadd.s32 s12, s4;
	s15 =	sadd.s32 s25, s7  }
0xe: {  	s11 =	sadd.s32 s10, s11;
	s14 =	sadd.s32 s12, s14;
	s9 =	sadd.s32 s9, s31  }
0xf: {  	s25 =	simm.s32 $0x4F00;
	s13 =	sadd.s32 s6, s7;
	s6 =	sadd.s32 $0x1E00, s7  }
0x10: {  	s11 =	sshrl.u32 s11, $0x3;
	s26 =	sshrl.u32 s14, $0x3;
	s14 =	ssub.s32 s8, s29  }
0x11: {  	s8 =	sor.u32 $0x1C03, s30;
	s16 =	sadd.s32 s11, s7;
	s17 =	sadd.s32 s26, s7  }
0x12: {  	s7 =	sadd.s32 $0x16000, s15;
	s10 =	sadd.s32 $0xC000, s13;
	s11 =	sadd.s32 $0x2000, s13  }
0x13: {  	s14 =	smax.u32 s14, $0x1;
	s15 =	sshrl.u32 s18, $0x3;
	s18 =	simm.s32 $0x12E00  }
0x14: {  	s26 =	simm.s32 $0x4F80;
	s12 =	sadd.s32 $0x29C00, s16;
	s13 =	sadd.s32 $0x51400, s17  }
0x15: {  	s16 =	simm.s32 $0x3;
	s17 =	sshrl.u32 s19, $0x3;
	s19 =	simm.s32 $0x2800  }
.LBB2_1:
0x16: {  	[spmem:s15], [sflag:s8] =	dma.local [hbm:s7], $0x13C0  }
0x17: {  	_ =	swait.ge [sflag:s16], $0x13C0  }
0x18: {  	[sflag:s16] =	ssyncset.done $0x0  }
0x19: {  	[sflag:s16] =	ssyncadd.s32 $0xFFFFEC40  }
0x1a: {  	[spmem:s17], [sflag:s8] =	dma.local [hbm:s9], $0x4F0  }
0x1b: {  	_ =	swait.ge [sflag:s16], $0x4F0  }
0x1c: {  	[sflag:s16] =	ssyncset.done $0x0  }
0x1d: {  	[sflag:s16] =	ssyncadd.s32 $0xFFFFFB10  }
0x1e: {  	[tilespmem:s18], [sflag:$0x3] =	stream.linear.gather [hbm4b:s6+s5], $0x800, $0x38;
	[tilespmem:$0x15D80] =	vst v63  }
0x1f: {  	_ =	swait.ge [sflag:s16], $0x800  }
0x20: {  	[sflag:s16] =	ssyncset.done $0x0  }
0x21: {  	[sflag:s16] =	ssyncadd.s32 $0xFFFFF800  }
0x22: {  	[tilespmem:s5], [sflag:$0x3] =	stream.linear.gather [hbm4b:s10+s5], $0x2800, $0x38;
	[tilespmem:$0x15D80] =	vst v63  }
0x23: {  	_ =	swait.ge [sflag:s16], $0x2800  }
0x24: {  	[sflag:s16] =	ssyncset.done $0x0  }
0x25: {  	[sflag:s16] =	ssyncadd.s32 $0xFFFFD800  }
0x26: {  	[tilespmem:s19], [sflag:$0x3] =	stream.linear.gather [hbm4b:s11+s5], $0x2800, $0x38;
	[tilespmem:$0x15D80] =	vst v63  }
0x27: {  	_ =	swait.ge [sflag:s16], $0x2800  }
0x28: {  	[sflag:s16] =	ssyncset.done $0x0  }
0x29: {  	[sflag:s16] =	ssyncadd.s32 $0xFFFFD800  }
0x2a: {  	[bflag:$0x0] =	sbarrier.arrive $0xFFFF  }
0x2b: {  	[tilespmem:s21], [sflag:$0x1] =	stream.indirect.gather [hbm4b:s1+s20], $0x40, s5, s20, $0xb8;
	[tilespmem:$0x15D80] =	vst v63  }
0x2c: {  	_ = 	snop  }
0x2d: {  	[tilespmem:s22], [sflag:$0x2] =	stream.indirect.gather [hbm4b:s1+s20], $0x40, s20, s20, $0xb8;
	[tilespmem:$0x15D80] =	vst v63  }
0x2e: {  	_ =	swait.ge [sflag:s23], $0x2000  }
0x2f: {  	[sflag:s23] =	ssyncset.done $0x0  }
0x30: {  	s29 =	simm.s32 $0x100;
	[sflag:s23] =	ssyncadd.s32 $0xFFFFE000  }
0x31: {  	[tilespmem:s21], [sflag:$0x1] =	stream.indirect.gather [hbm4b:s1+s20], $0x40, s29, s20, $0xb8;
	[tilespmem:$0x15D80] =	vst v63  }
0x32: {  	s29 =	simm.s32 $0x2800  }
0x33: {  	[spmem:s3] =	stream.indirect.scatter.add.f32 [tilespmem:s21], [sflag:$0x3], $0x40, s29, s20, $0xb8;
	[tilespmem:$0x15D80] =	vst v63  }
0x34: {  	_ =	swait.ge [sflag:s16], $0x2000  }
0x35: {  	[sflag:s16] =	ssyncset.done $0x0  }
0x36: {  	[sflag:s16] =	ssyncadd.s32 $0xFFFFE000  }
0x37: {  	[spmem:s4] =	stream.indirect.scatter.add.f32 [tilespmem:s18], [sflag:$0x3], $0x10, s29, s20, $0xb8;
	[tilespmem:$0x15D80] =	vst v63  }
0x38: {  	_ =	swait.ge [sflag:s16], $0x800  }
0x39: {  	[sflag:s16] =	ssyncset.done $0x0  }
0x3a: {  	[sflag:s16] =	ssyncadd.s32 $0xFFFFF800  }
0x3b: {  	_ =	swait.ge [sflag:s24], $0x2000  }
0x3c: {  	[sflag:s24] =	ssyncset.done $0x0  }
0x3d: {  	s29 =	simm.s32 $0x180;
	[sflag:s24] =	ssyncadd.s32 $0xFFFFE000  }
0x3e: {  	[tilespmem:s22], [sflag:$0x2] =	stream.indirect.gather [hbm4b:s1+s20], $0x40, s29, s20, $0xb8;
	[tilespmem:$0x15D80] =	vst v63  }
0x3f: {  	s29 =	simm.s32 $0x2880  }
0x40: {  	[spmem:s3] =	stream.indirect.scatter.add.f32 [tilespmem:s22], [sflag:$0x3], $0x40, s29, s20, $0xb8;
	[tilespmem:$0x15D80] =	vst v63  }
0x41: {  	_ =	swait.ge [sflag:s16], $0x2000  }
0x42: {  	[sflag:s16] =	ssyncset.done $0x0  }
0x43: {  	[sflag:s16] =	ssyncadd.s32 $0xFFFFE000  }
0x44: {  	[spmem:s4] =	stream.indirect.scatter.add.f32 [tilespmem:s18], [sflag:$0x3], $0x10, s29, s20, $0xb8;
	[tilespmem:$0x15D80] =	vst v63  }
0x45: {  	_ =	swait.ge [sflag:s16], $0x800  }
0x46: {  	s29 =	simm.s32 $0x400;
	[sflag:s16] =	ssyncset.done $0x0  }
.LBB2_2:
0x47: {  	p0 =	sne.s32 s29, $0x9800  }
0x48: {  	[sflag:s16] =	ssyncadd.s32 $0xFFFFF800;
	s30 =	smov.u32 s29;
	s29 =	sadd.s32 $0x400, s29  }
0x49: {  	_ =	swait.ge [sflag:s23], $0x2000  }
0x4a: {  	s30 =	sshra.s32 s30, $0x2;
	[sflag:s23] =	ssyncset.done $0x0  }
0x4b: {  	s31 =	sadd.s32 $0x100, s30;
	[sflag:s23] =	ssyncadd.s32 $0xFFFFE000  }
0x4c: {  	[tilespmem:s21], [sflag:$0x1] =	stream.indirect.gather [hbm4b:s1+s20], $0x40, s31, s20, $0xb8;
	[tilespmem:$0x15D80] =	vst v63  }
0x4d: {  	s31 =	sadd.s32 $0x2800, s30  }
0x4e: {  	[spmem:s3] =	stream.indirect.scatter.add.f32 [tilespmem:s21], [sflag:$0x3], $0x40, s31, s20, $0xb8;
	[tilespmem:$0x15D80] =	vst v63  }
0x4f: {  	_ =	swait.ge [sflag:s16], $0x2000  }
0x50: {  	[sflag:s16] =	ssyncset.done $0x0  }
0x51: {  	[sflag:s16] =	ssyncadd.s32 $0xFFFFE000  }
0x52: {  	[spmem:s4] =	stream.indirect.scatter.add.f32 [tilespmem:s18], [sflag:$0x3], $0x10, s31, s20, $0xb8;
	[tilespmem:$0x15D80] =	vst v63  }
0x53: {  	_ =	swait.ge [sflag:s16], $0x800  }
0x54: {  	[sflag:s16] =	ssyncset.done $0x0  }
0x55: {  	[sflag:s16] =	ssyncadd.s32 $0xFFFFF800  }
0x56: {  	_ =	swait.ge [sflag:s24], $0x2000  }
0x57: {  	[sflag:s24] =	ssyncset.done $0x0  }
0x58: {  	s31 =	sadd.s32 $0x180, s30;
	[sflag:s24] =	ssyncadd.s32 $0xFFFFE000  }
0x59: {  	[tilespmem:s22], [sflag:$0x2] =	stream.indirect.gather [hbm4b:s1+s20], $0x40, s31, s20, $0xb8;
	[tilespmem:$0x15D80] =	vst v63  }
0x5a: {  	s30 =	sadd.s32 $0x2880, s30  }
0x5b: {  	[spmem:s3] =	stream.indirect.scatter.add.f32 [tilespmem:s22], [sflag:$0x3], $0x40, s30, s20, $0xb8;
	[tilespmem:$0x15D80] =	vst v63  }
0x5c: {  	_ =	swait.ge [sflag:s16], $0x2000  }
.Ltmp0:
0x5d: {  	[sflag:s16] =	ssyncset.done $0x0;
	(pc) =	sbr.rel @p0 .LBB2_2-.Ltmp0, $4  }
0x5e: {  	[sflag:s16] =	ssyncadd.s32 $0xFFFFE000  }
0x5f: {  	[spmem:s4] =	stream.indirect.scatter.add.f32 [tilespmem:s18], [sflag:$0x3], $0x10, s30, s20, $0xb8;
	[tilespmem:$0x15D80] =	vst v63  }
0x60: {  	_ =	swait.ge [sflag:s16], $0x800  }
0x61: {  	[sflag:s16] =	ssyncset.done $0x0  }
0x62: {  	[sflag:s16] =	ssyncadd.s32 $0xFFFFF800  }
0x63: {  	_ =	swait.ge [sflag:s23], $0x2000  }
0x64: {  	[sflag:s23] =	ssyncset.done $0x0  }
0x65: {  	[sflag:s23] =	ssyncadd.s32 $0xFFFFE000  }
0x66: {  	[spmem:s3] =	stream.indirect.scatter.add.f32 [tilespmem:s21], [sflag:$0x3], $0x40, s25, s20, $0xb8;
	[tilespmem:$0x15D80] =	vst v63  }
0x67: {  	_ =	swait.ge [sflag:s16], $0x2000  }
0x68: {  	[sflag:s16] =	ssyncset.done $0x0  }
0x69: {  	[sflag:s16] =	ssyncadd.s32 $0xFFFFE000  }
0x6a: {  	[spmem:s4] =	stream.indirect.scatter.add.f32 [tilespmem:s18], [sflag:$0x3], $0x10, s25, s20, $0xb8;
	[tilespmem:$0x15D80] =	vst v63  }
0x6b: {  	_ =	swait.ge [sflag:s16], $0x800  }
0x6c: {  	[sflag:s16] =	ssyncset.done $0x0  }
0x6d: {  	[sflag:s16] =	ssyncadd.s32 $0xFFFFF800  }
0x6e: {  	_ =	swait.ge [sflag:s24], $0x2000  }
0x6f: {  	[sflag:s24] =	ssyncset.done $0x0  }
0x70: {  	[sflag:s24] =	ssyncadd.s32 $0xFFFFE000  }
0x71: {  	[spmem:s3] =	stream.indirect.scatter.add.f32 [tilespmem:s22], [sflag:$0x3], $0x40, s26, s20, $0xb8;
	[tilespmem:$0x15D80] =	vst v63  }
0x72: {  	_ =	swait.ge [sflag:s16], $0x2000  }
0x73: {  	[sflag:s16] =	ssyncset.done $0x0  }
0x74: {  	[sflag:s16] =	ssyncadd.s32 $0xFFFFE000  }
0x75: {  	[spmem:s4] =	stream.indirect.scatter.add.f32 [tilespmem:s18], [sflag:$0x3], $0x10, s26, s20, $0xb8;
	[tilespmem:$0x15D80] =	vst v63  }
0x76: {  	_ =	swait.ge [sflag:s16], $0x800  }
0x77: {  	[sflag:s16] =	ssyncset.done $0x0  }
0x78: {  	[sflag:s16] =	ssyncadd.s32 $0xFFFFF800  }
0x79: {  	[bflag:$0x0] =	sbarrier.arrive $0xFFFF  }
0x7a: {  	[hbm:s12], [sflag:s8] =	dma.local [spmem:s15], $0x13C0  }
0x7b: {  	s28 =	sadd.s32 $0x1, s28;
	_ =	swait.ge [sflag:s16], $0x13C0  }
0x7c: {  	p0 =	sne.s32 s28, s14;
	[sflag:s16] =	ssyncset.done $0x0  }
.Ltmp1:
0x7d: {  	[sflag:s16] =	ssyncadd.s32 $0xFFFFEC40;
	(pc) =	sbr.rel @p0 .LBB2_1-.Ltmp1, $4  }
0x7e: {  	[hbm:s13], [sflag:s8] =	dma.local [spmem:s17], $0x4F0  }
0x7f: {  	_ =	swait.ge [sflag:s16], $0x4F0  }
0x80: {  	[sflag:s16] =	ssyncset.done $0x0  }
0x81: {  	[sflag:s16] =	ssyncadd.s32 $0xFFFFFB10  }
0x82: {  	_ =	sfence.sel $0x180000  }
0x83: {  	[bflag:$0x0] =	sbarrier.arrive $0xFFFF  }
0x84: {  	p0 =	sne.s32 s0, $0x0;
	_ =	strace $0x90000047  }
0x85: {  	s0 =	sadd.s32 @!p0 $0x100000, s2;
	[bflag:$0x2] =	sbarrier.arrive $0xFFFF  }
0x86: {  	[sflag:s0] =	ssyncadd.tile.s32 @!p0 $0x1;
	_ =	shalt  }
.Lfunc_end2:
_tile_overlayer_lowered:
.L_overlay_start_2:
0x87: {  	(tag) =	ssettag $0x2  }
0x88: {  	s0 =	rddreg [dreg:$0x0];
	s2 =	stileid.u32  }
0x89: {  	s1 =	rddreg [dreg:$0x1];
	p0 =	sne.s32 s2, $0x0  }
0x8a: {  	s3 =	rddreg [dreg:$0x2];
	[bflag:$0x3] =	sbarrier.arrive $0xFFFF;
	s2 =	simm.s32 @!p0 $0x1C03  }
0x8b: {  	[timem:s3], [sflag:s2] =	dma.local @!p0 [hbm:s0], s1  }
0x8c: {  	s0 =	simm.s32 @!p0 $0x3  }
0x8d: {  	_ =	swait.ge @!p0 [sflag:s0], s1  }
0x8e: {  	s1 =	ssub.s32 @!p0 $0x0, s1;
	[sflag:s0] =	ssyncset.done @!p0 $0x0  }
0x8f: {  	[sflag:s0] =	ssyncadd.s32 @!p0 s1  }
0x90: {  	[bflag:$0x3] =	sbarrier.arrive $0xFFFF  }
0x91: {  	_ =	shalt  }

// kernel: kernel.13.cloned.1.call-start
scs
__scs_entry_jumppad:
0x0: {  	(pc) =	sbr.rel $0x88, $3  }
0x1: {  	(tag) =	ssettag $0x0;
	lr =	simm.s32 $0x1  }
0x2: {  	[smem:$0x3F94] =	sst lr;
	_ =	strace $0xD0000000  }
0x3: {  	_ = 	snop  }
0x4: {  	_ = 	snop  }
0x5: {  	_ = 	snop  }
0x6: {  	_ = 	snop  }
0x7: {  	_ = 	snop  }
__scs_overlays_trampoline_lowered:
0x8: {  	[smem:$0x3FA3] =	sst s0  }
0x9: {  	[smem:$0x3FA4] =	sst s1  }
0xa: {  	[smem:$0x3FA5] =	sst s2  }
0xb: {  	[smem:$0x3FA6] =	sst s3  }
0xc: {  	[smem:$0x3FA7] =	sst s4  }
0xd: {  	[smem:$0x3FA8] =	sst s5  }
0xe: {  	[smem:$0x3FA9] =	sst s6  }
0xf: {  	[smem:$0x3FAA] =	sst s7  }
0x10: {  	[smem:$0x3FAB] =	sst s8  }
0x11: {  	[smem:$0x3FAC] =	sst s9;
	s0 =	simm.s32 @!p0 $0x0  }
0x12: {  	s1 =	sld [smem:$0x3F92];
	s0 =	simm.s32 @p0 $0x1  }
0x13: {  	[smem:$0x3FAD] =	sst s0;
	s0 =	simm.s32 @!p1 $0x0  }
0x14: {  	s2 =	sld [smem:$0x3F91];
	s0 =	simm.s32 @p1 $0x1  }
0x15: {  	[smem:$0x3FAE] =	sst s0;
	s0 =	simm.s32 @!p2 $0x0  }
0x16: {  	s3 =	sld [smem:$0x3FDB];
	s0 =	simm.s32 @p2 $0x1  }
0x17: {  	s4 =	simm.s32 $0x1BF5;
	[smem:$0x3FB0] =	sst s0  }
0x18: {  	s0 =	sld [smem:$0x3F93];
	_ =	swait.ge [sflag:s4], $0x0  }
0x19: {  	s7 =	sld [smem:$0x3F94]  }
0x1a: {  	s8 =	sadd.s32 $0xFFFFE003, lr  }
0x1b: {  	s9 =	sadd.s32 $0xFFFFFEF7, lr;
	s5 =	simm.s32 $0xFFFFFFFF;
	p2 =	slt.u32 s8, $0xFFFFF086  }
0x1c: {  	p1 =	slt.u32 s9, $0xF7A;
	s5 =	simm.s32 @!p2 $0x0  }
0x1d: {  	s5 =	simm.s32 @p1 $0x1;
	p0 =	seq.s32 s7, s2  }
0x1e: {  	s7 =	smul.u32 @!p0 $0xF7A, s2;
	p2 =	seq.s32 @!p0 s5, $0x0  }
0x1f: {  	s9 =	smul.u32 $0xF7A, s1;
	s8 =	simm.s32 @!p0 $0x1BF5;
	p2 =	por !p2, p0  }
0x20: {  	[sflag:s8] =	ssyncset.s32 @!p0 $0xFFFFF086;
	s6 =	sadd.s32 @!p0 s3, s7;
	s7 =	simm.s32 @!p0 $0x108  }
0x21: {  	s3 =	sadd.s32 s3, s9;
	s6 =	sadd.s32 @!p0 $0x88, s6;
	s7 =	simm.s32 @p2 $0x1082  }
0x22: {  	[simem:s7], [sflag:s8] =	dma.local @!p0 [hbm:s6], $0xF7A  }
0x23: {  	s9 =	sor.u32 $0xD0000000, s2;
	s6 =	simm.s32 $0x108;
	_ =	swait.ge @!p0 [sflag:s8], $0x0  }
0x24: {  	s3 =	sadd.s32 $0x88, s3;
	s6 =	simm.s32 @!p1 $0x1082;
	[sflag:s4] =	ssyncset.s32 $0xFFFFF086  }
0x25: {  	[simem:s6], [sflag:s4] =	dma.local [hbm:s3], $0xF7A  }
0x26: {  	[smem:$0x3F94] =	sst s1;
	(tag) =	ssettag s2;
	_ =	strace s9  }
0x27: {  	s1 =	sld [smem:$0x3FA4]  }
0x28: {  	s2 =	sld [smem:$0x3FA5]  }
0x29: {  	s4 =	sld [smem:$0x3FA7]  }
0x2a: {  	p0 =	seq.s32 s5, $0x0;
	s5 =	sld [smem:$0x3FA8]  }
0x2b: {  	s6 =	sld [smem:$0x3FA9]  }
0x2c: {  	s7 =	sld [smem:$0x3FAA]  }
0x2d: {  	s3 =	simm.s32 $0x108;
	s8 =	sld [smem:$0x3FAB]  }
0x2e: {  	s3 =	simm.s32 @!p0 $0x1082;
	s9 =	sld [smem:$0x3FAC]  }
0x2f: {  	lr =	sadd.s32 s0, s3;
	s0 =	sld [smem:$0x3FA3]  }
0x30: {  	s3 =	sld [smem:$0x3FA6]  }
0x31: {  	[smem:$0x3FAF] =	sst s10  }
0x32: {  	s10 =	sld [smem:$0x3FAD];
	_ =	sdelay $0x3  }
0x33: {  	p0 =	seq.s32 s10, $0x1;
	s10 =	sld [smem:$0x3FAF];
	_ =	sdelay $0x3  }
0x34: {  	[smem:$0x3FAF] =	sst s10  }
0x35: {  	s10 =	sld [smem:$0x3FAE];
	_ =	sdelay $0x3  }
0x36: {  	p1 =	seq.s32 s10, $0x1;
	s10 =	sld [smem:$0x3FAF];
	_ =	sdelay $0x3  }
0x37: {  	[smem:$0x3FAF] =	sst s10  }
0x38: {  	s10 =	sld [smem:$0x3FB0]  }
0x39: {  	_ = 	snop;
	(pc) =	sbr.ind lr, $3  }
0x3a: {  	_ = 	snop  }
0x3b: {  	_ = 	snop  }
0x3c: {  	p2 =	seq.s32 s10, $0x1;
	s10 =	sld [smem:$0x3FAF]  }
0x3d: {  	_ =	shalt  }
0x3e: {  	_ =	shalt  }
0x3f: {  	_ =	shalt  }
0x40: {  	_ =	shalt  }
0x41: {  	_ =	shalt  }
0x42: {  	_ =	shalt  }
0x43: {  	_ =	shalt  }
0x44: {  	_ =	shalt  }
0x45: {  	_ =	shalt  }
0x46: {  	_ =	shalt  }
0x47: {  	_ =	shalt  }
0x48: {  	_ =	shalt  }
0x49: {  	_ =	shalt  }
0x4a: {  	_ =	shalt  }
0x4b: {  	_ =	shalt  }
0x4c: {  	_ =	shalt  }
0x4d: {  	_ =	shalt  }
0x4e: {  	_ =	shalt  }
0x4f: {  	_ =	shalt  }
0x50: {  	_ =	shalt  }
0x51: {  	_ =	shalt  }
0x52: {  	_ =	shalt  }
0x53: {  	_ =	shalt  }
0x54: {  	_ =	shalt  }
0x55: {  	_ =	shalt  }
0x56: {  	_ =	shalt  }
0x57: {  	_ =	shalt  }
0x58: {  	_ =	shalt  }
0x59: {  	_ =	shalt  }
0x5a: {  	_ =	shalt  }
0x5b: {  	_ =	shalt  }
0x5c: {  	_ =	shalt  }
0x5d: {  	_ =	shalt  }
0x5e: {  	_ =	shalt  }
0x5f: {  	_ =	shalt  }
0x60: {  	_ =	shalt  }
0x61: {  	_ =	shalt  }
0x62: {  	_ =	shalt  }
0x63: {  	_ =	shalt  }
0x64: {  	_ =	shalt  }
0x65: {  	_ =	shalt  }
0x66: {  	_ =	shalt  }
0x67: {  	_ =	shalt  }
0x68: {  	_ =	shalt  }
0x69: {  	_ =	shalt  }
0x6a: {  	_ =	shalt  }
0x6b: {  	_ =	shalt  }
0x6c: {  	_ =	shalt  }
0x6d: {  	_ =	shalt  }
0x6e: {  	_ =	shalt  }
0x6f: {  	_ =	shalt  }
0x70: {  	_ =	shalt  }
0x71: {  	_ =	shalt  }
0x72: {  	_ =	shalt  }
0x73: {  	_ =	shalt  }
0x74: {  	_ =	shalt  }
0x75: {  	_ =	shalt  }
0x76: {  	_ =	shalt  }
0x77: {  	_ =	shalt  }
0x78: {  	_ =	shalt  }
0x79: {  	_ =	shalt  }
0x7a: {  	_ =	shalt  }
0x7b: {  	_ =	shalt  }
0x7c: {  	_ =	shalt  }
0x7d: {  	_ =	shalt  }
0x7e: {  	_ =	shalt  }
0x7f: {  	_ =	shalt  }
0x80: {  	_ =	shalt  }
0x81: {  	_ =	shalt  }
0x82: {  	_ =	shalt  }
0x83: {  	_ =	shalt  }
0x84: {  	_ =	shalt  }
0x85: {  	_ =	shalt  }
0x86: {  	_ =	shalt  }
0x87: {  	_ =	shalt  }
.Lfunc_end0:
.L_simem_size_0:
called_computation.1_lowered:
.L_overlay_start_0:
0x88: {  	s2 =	sld [smem:$0x3FD9]  }
0x89: {  	s3 =	sld [smem:$0x3FFE];
	_ =	sdelay $0x1  }
0x8a: {  	s1 =	srdreg.scid  }
0x8b: {  	s0 =	sand.u32 $0x1, s1  }
0x8c: {  	s14 =	sshll.u32 s0, $0xA;
	s2 =	sadd.s32 s3, s2  }
0x8d: {  	s2 =	sadd.s32 s2, s14  }
0x8e: {  	[smem:$0x3FBB] =	sst s2  }
0x8f: {  	_ = 	snop  }
0x90: {  	s2 =	sld [smem:$0x3FD0];
	_ =	sdelay $0x2  }
0x91: {  	s15 =	simm.s32 $0xA;
	s4 =	simm.s32 $0x10  }
0x92: {  	[smem:s4], [sflag:s15] =	dma.local [hbm:s2], $0x1  }
0x93: {  	_ =	swait.eq [sflag:s15], $0x1  }
0x94: {  	[sflag:s15] =	ssyncset.done $0x0  }
0x95: {  	[sflag:s15] =	ssyncadd.s32 $0xFFFFFFFF  }
0x96: {  	s16 =	sld [smem:$0x10];
	(tm) =	ssettm $0x1  }
0x97: {  	s17 =	sld [smem:$0x3FFB];
	_ =	sdelay $0x3  }
0x98: {  	_ =	strace s17  }
0x99: {  	s3 =	sld [smem:$0x3FFC];
	_ =	sdelay $0x3  }
0x9a: {  	_ =	strace s3  }
0x9b: {  	s3 =	sld [smem:$0x3FFD];
	_ =	sdelay $0x3  }
0x9c: {  	_ =	strace s3  }
0x9d: {  	_ =	strace $0x8FFFFFFF  }
0x9e: {  	s18 =	sld [smem:$0x3FDB];
	_ =	sdelay $0x1  }
0x9f: {  	s19 =	simm.s32 $_scs_section_size  }
0xa0: {  	s5 =	simm.s32 $_size__tile_overlayer_lowered;
	s6 =	simm.s32 $_tile_overlayer_lowered  }
0xa1: {  	s22 =	simm.s32 $0x1BFF;
	s21 =	sshll.u32 s6, $0x1;
	s3 =	sadd.s32 s19, s18  }
0xa2: {  	s7 =	simm.s32 $0x0;
	s20 =	sshll.u32 s5, $0x1;
	s5 =	sadd.s32 s21, s3  }
0xa3: {  	[timem:s7], [sflag:s22] =	dma.local [hbm:s5], s20  }
0xa4: {  	_ =	swait.ge [sflag:s22], s20  }
0xa5: {  	s4 =	ssub.s32 $0x0, s20;
	[sflag:s22] =	ssyncset.done $0x0  }
0xa6: {  	[sflag:s22] =	ssyncadd.s32 s4;
	_ =	sdelay $0x1  }
0xa7: {  	s23 =	simm.s32 $0x1B8B  }
0xa8: {  	_ =	swait.ge [sflag:s23], $0x1  }
0xa9: {  	[sflag:s23] =	ssyncset.done $0x0  }
0xaa: {  	s25 =	simm.s32 $0x1B8E;
	s24 =	sld [smem:$0x3FFE];
	[sflag:s23] =	ssyncadd.s32 $0xFFFFFFFF  }
0xab: {  	s26 =	simm.s32 $execute0_lowered;
	[smem:$0x3FD2] =	sst s25  }
0xac: {  	s5 =	sshll.u32 s26, $0x1;
	_ =	strace $0x80000049;
	[dreg:$0x1] =	wrdreg $0xFFFFFFFF  }
0xad: {  	s28 =	simm.s32 $_size_execute0_lowered;
	s3 =	sadd.s32 s3, s5;
	[dreg:$0x0] =	wrdreg $0x0  }
0xae: {  	s5 =	sshll.u32 s28, $0x1;
	[dreg:$0x2] =	wrdreg s3  }
0xaf: {  	[dreg:$0x3] =	wrdreg s5  }
0xb0: {  	[dreg:$0x4] =	wrdreg $0xC0  }
0xb1: {  	_ =	task [dreg:s7], $0x5FFFF  }
0xb2: {  	[dreg:$0x1] =	wrdreg $0xFFFFFFFF  }
0xb3: {  	[dreg:$0x0] =	wrdreg $0x60  }
0xb4: {  	[dreg:$0x2] =	wrdreg s16  }
0xb5: {  	[dreg:$0x3] =	wrdreg s24  }
0xb6: {  	[dreg:$0x4] =	wrdreg $0x90000  }
0xb7: {  	[dreg:$0x5] =	wrdreg $0x9  }
0xb8: {  	_ =	task.clear_ibuf [dreg:s7], $0x6FFFF;
	_ =	strace $0x90000049  }
0xb9: {  	s29 =	simm.s32 $0x9;
	_ =	strace $0x8000004B  }
0xba: {  	_ =	swait.ge [sflag:s29], $0x1  }
0xbb: {  	[sflag:s29] =	ssyncadd.s32 $0xFFFFFFFF  }
0xbc: {  	_ =	strace $0x9000004B  }
0xbd: {  	_ =	sfence  }
0xbe: {  	s30 =	sld [smem:$0x0];
	_ =	sdelay $0x2  }
0xbf: {  	s31 =	sshll.u32 s1, $0xD;
	s1 =	sshrl.u32 s1, $0x2  }
0xc0: {  	s3 =	sand.u32 $0x4000, s31;
	s1 =	sadd.s32 s1, s30  }
0xc1: {  	s0 =	sor.u32 s3, s0;
	s1 =	sshll.u32 s1, $0x11  }
0xc2: {  	s0 =	sor.u32 s1, s0  }
0xc3: {  	s0 =	sadd.s32 $0x8F2B, s0  }
0xc4: {  	[sflag:s0] =	ssyncadd.remote.s32 $0x1  }
0xc5: {  	_ =	sfence.sel $0xFFFF  }
0xc6: {  	[dreg:$0x0] =	wrdreg $0xFFFFFFFF;
	(pc) =	sbr.abs _section_cstart, $3  }
0xc7: {  	[dreg:$0x1] =	wrdreg $0xFFFFFFFF  }
0xc8: {  	_ =	task.clear_ibuf [dreg:s7], $0x2FFFF;
	_ =	strace $0x9FFFFFFF  }
0xc9: {  	(tm) =	ssettm $0x7FFFFFFF  }
tec
execute0_lowered:
.L_overlay_start_1:
0x0: {  	(tag) =	ssettag $0x1  }
0x1: {  	s2 =	srdreg.scid;
	s1 =	rddreg [dreg:$0x0]  }
0x2: {  	s0 =	stileid.u32;
	s6 =	rddreg [dreg:$0x1]  }
0x3: {  	s3 =	rddreg [dreg:$0x2];
	s4 =	simm.s32 $0x0;
	s13 =	simm.s32 $0x2800  }
0x4: {  	s14 =	simm.s32 $0x80;
	s15 =	simm.s32 $0x5000;
	s16 =	simm.s32 $0x7000  }
0x5: {  	s17 =	simm.s32 $0x1;
	s18 =	simm.s32 $0x2;
	s19 =	simm.s32 $0x4F00  }
0x6: {  	s20 =	simm.s32 $0x4F80;
	s21 =	simm.s32 $0x0;
	s5 =	sand.u32 $0x1, s2  }
0x7: {  	s29 =	sshll.u32 s0, $0x1;
	s8 =	smul.u32 $0x9E00, s0;
	[smem:$0x7FF] =	sst s4  }
0x8: {  	s31 =	sshll.u32 s0, $0x6;
	s2 =	sor.u32 s5, s29;
	s9 =	smul.u32 $0x9E000, s5  }
0x9: {  	s5 =	ssub.s32 $0x2, s5;
	s7 =	smul.u32 $0x500, s2;
	s2 =	rddreg [dreg:$0x3]  }
0xa: {  	_ =	strace $0x8000004A;
	s30 =	sshrl.u32 s8, $0x3;
	s11 =	sshrl.u32 s5, $0x1  }
0xb: {  	s12 =	sadd.s32 s8, s3;
	s9 =	sadd.s32 s8, s9;
	s11 =	ssub.s32 s5, s11  }
0xc: {  	s10 =	sadd.s32 s7, s6;
	s7 =	sadd.s32 s30, s6;
	s9 =	sshrl.u32 s9, $0x3  }
0xd: {  	s9 =	sadd.s32 s9, s6;
	s5 =	sadd.s32 $0x16000, s7;
	s6 =	sor.u32 $0x1C03, s31  }
0xe: {  	s7 =	sadd.s32 $0xC000, s10;
	s8 =	sadd.s32 $0x2000, s10;
	s10 =	smax.u32 s11, $0x1  }
0xf: {  	s11 =	sshrl.u32 s12, $0x3;
	s12 =	simm.s32 $0x3;
	s9 =	sadd.s32 $0x29C00, s9  }
.LBB2_1:
0x10: {  	[spmem:s11], [sflag:s6] =	dma.local [hbm:s5], $0x13C0  }
0x11: {  	_ =	swait.ge [sflag:s12], $0x13C0  }
0x12: {  	[sflag:s12] =	ssyncset.done $0x0  }
0x13: {  	[sflag:s12] =	ssyncadd.s32 $0xFFFFEC40  }
0x14: {  	[tilespmem:s4], [sflag:$0x3] =	stream.linear.gather [hbm4b:s7+s4], $0x2800, $0x38;
	[tilespmem:$0x12E00] =	vst v63  }
0x15: {  	_ =	swait.ge [sflag:s12], $0x2800  }
0x16: {  	[sflag:s12] =	ssyncset.done $0x0  }
0x17: {  	[sflag:s12] =	ssyncadd.s32 $0xFFFFD800  }
0x18: {  	[tilespmem:s13], [sflag:$0x3] =	stream.linear.gather [hbm4b:s8+s4], $0x2800, $0x38;
	[tilespmem:$0x12E00] =	vst v63  }
0x19: {  	_ =	swait.ge [sflag:s12], $0x2800  }
0x1a: {  	[sflag:s12] =	ssyncset.done $0x0  }
0x1b: {  	[sflag:s12] =	ssyncadd.s32 $0xFFFFD800  }
0x1c: {  	[bflag:$0x0] =	sbarrier.arrive $0xFFFF  }
0x1d: {  	[tilespmem:s15], [sflag:$0x1] =	stream.indirect.gather [hbm4b:s1+s14], $0x40, s4, s14, $0xb8;
	[tilespmem:$0x12E00] =	vst v63  }
0x1e: {  	_ = 	snop  }
0x1f: {  	[tilespmem:s16], [sflag:$0x2] =	stream.indirect.gather [hbm4b:s1+s14], $0x40, s14, s14, $0xb8;
	[tilespmem:$0x12E00] =	vst v63  }
0x20: {  	_ =	swait.ge [sflag:s17], $0x2000  }
0x21: {  	[sflag:s17] =	ssyncset.done $0x0  }
0x22: {  	s22 =	simm.s32 $0x100;
	[sflag:s17] =	ssyncadd.s32 $0xFFFFE000  }
0x23: {  	[tilespmem:s15], [sflag:$0x1] =	stream.indirect.gather [hbm4b:s1+s14], $0x40, s22, s14, $0xb8;
	[tilespmem:$0x12E00] =	vst v63  }
0x24: {  	s29 =	simm.s32 $0x2800  }
0x25: {  	[spmem:s3] =	stream.indirect.scatter.add.f32 [tilespmem:s15], [sflag:$0x3], $0x40, s29, s14, $0xb8;
	[tilespmem:$0x12E00] =	vst v63  }
0x26: {  	_ =	swait.ge [sflag:s12], $0x2000  }
0x27: {  	[sflag:s12] =	ssyncset.done $0x0  }
0x28: {  	[sflag:s12] =	ssyncadd.s32 $0xFFFFE000  }
0x29: {  	_ =	swait.ge [sflag:s18], $0x2000  }
0x2a: {  	[sflag:s18] =	ssyncset.done $0x0  }
0x2b: {  	s30 =	simm.s32 $0x180;
	[sflag:s18] =	ssyncadd.s32 $0xFFFFE000  }
0x2c: {  	[tilespmem:s16], [sflag:$0x2] =	stream.indirect.gather [hbm4b:s1+s14], $0x40, s30, s14, $0xb8;
	[tilespmem:$0x12E00] =	vst v63  }
0x2d: {  	s31 =	simm.s32 $0x2880  }
0x2e: {  	[spmem:s3] =	stream.indirect.scatter.add.f32 [tilespmem:s16], [sflag:$0x3], $0x40, s31, s14, $0xb8;
	[tilespmem:$0x12E00] =	vst v63  }
0x2f: {  	_ =	swait.ge [sflag:s12], $0x2000  }
0x30: {  	s22 =	simm.s32 $0x400;
	[sflag:s12] =	ssyncset.done $0x0  }
.LBB2_2:
0x31: {  	p0 =	sne.s32 s22, $0x9800  }
0x32: {  	[sflag:s12] =	ssyncadd.s32 $0xFFFFE000;
	s23 =	smov.u32 s22;
	s22 =	sadd.s32 $0x400, s22  }
0x33: {  	_ = 	snop  }
0x34: {  	_ =	swait.ge [sflag:s17], $0x2000  }
0x35: {  	s23 =	sshra.s32 s23, $0x2;
	[sflag:s17] =	ssyncset.done $0x0  }
0x36: {  	s24 =	sadd.s32 $0x100, s23;
	[sflag:s17] =	ssyncadd.s32 $0xFFFFE000  }
0x37: {  	[tilespmem:s15], [sflag:$0x1] =	stream.indirect.gather [hbm4b:s1+s14], $0x40, s24, s14, $0xb8;
	[tilespmem:$0x12E00] =	vst v63  }
0x38: {  	s24 =	sadd.s32 $0x2800, s23  }
0x39: {  	[spmem:s3] =	stream.indirect.scatter.add.f32 [tilespmem:s15], [sflag:$0x3], $0x40, s24, s14, $0xb8;
	[tilespmem:$0x12E00] =	vst v63  }
0x3a: {  	_ =	swait.ge [sflag:s12], $0x2000  }
0x3b: {  	[sflag:s12] =	ssyncset.done $0x0  }
0x3c: {  	[sflag:s12] =	ssyncadd.s32 $0xFFFFE000  }
0x3d: {  	_ =	swait.ge [sflag:s18], $0x2000  }
0x3e: {  	[sflag:s18] =	ssyncset.done $0x0  }
0x3f: {  	s24 =	sadd.s32 $0x180, s23;
	[sflag:s18] =	ssyncadd.s32 $0xFFFFE000  }
0x40: {  	[tilespmem:s16], [sflag:$0x2] =	stream.indirect.gather [hbm4b:s1+s14], $0x40, s24, s14, $0xb8;
	[tilespmem:$0x12E00] =	vst v63  }
.Ltmp0:
0x41: {  	_ = 	snop;
	(pc) =	sbr.rel @p0 .LBB2_2-.Ltmp0, $4  }
0x42: {  	s23 =	sadd.s32 $0x2880, s23  }
0x43: {  	[spmem:s3] =	stream.indirect.scatter.add.f32 [tilespmem:s16], [sflag:$0x3], $0x40, s23, s14, $0xb8;
	[tilespmem:$0x12E00] =	vst v63  }
0x44: {  	_ =	swait.ge [sflag:s12], $0x2000  }
0x45: {  	[sflag:s12] =	ssyncset.done $0x0  }
0x46: {  	[sflag:s12] =	ssyncadd.s32 $0xFFFFE000  }
0x47: {  	_ =	swait.ge [sflag:s17], $0x2000  }
0x48: {  	[sflag:s17] =	ssyncset.done $0x0  }
0x49: {  	[sflag:s17] =	ssyncadd.s32 $0xFFFFE000  }
0x4a: {  	[spmem:s3] =	stream.indirect.scatter.add.f32 [tilespmem:s15], [sflag:$0x3], $0x40, s19, s14, $0xb8;
	[tilespmem:$0x12E00] =	vst v63  }
0x4b: {  	_ =	swait.ge [sflag:s12], $0x2000  }
0x4c: {  	[sflag:s12] =	ssyncset.done $0x0  }
0x4d: {  	[sflag:s12] =	ssyncadd.s32 $0xFFFFE000  }
0x4e: {  	_ =	swait.ge [sflag:s18], $0x2000  }
0x4f: {  	[sflag:s18] =	ssyncset.done $0x0  }
0x50: {  	[sflag:s18] =	ssyncadd.s32 $0xFFFFE000  }
0x51: {  	[spmem:s3] =	stream.indirect.scatter.add.f32 [tilespmem:s16], [sflag:$0x3], $0x40, s20, s14, $0xb8;
	[tilespmem:$0x12E00] =	vst v63  }
0x52: {  	_ =	swait.ge [sflag:s12], $0x2000  }
0x53: {  	s21 =	sadd.s32 $0x1, s21;
	[sflag:s12] =	ssyncset.done $0x0  }
0x54: {  	p0 =	sne.s32 s21, s10;
	[sflag:s12] =	ssyncadd.s32 $0xFFFFE000  }
.Ltmp1:
0x55: {  	[bflag:$0x0] =	sbarrier.arrive $0xFFFF;
	(pc) =	sbr.rel @p0 .LBB2_1-.Ltmp1, $4  }
0x56: {  	[hbm:s9], [sflag:s6] =	dma.local [spmem:s11], $0x13C0  }
0x57: {  	_ =	swait.ge [sflag:s12], $0x13C0  }
0x58: {  	[sflag:s12] =	ssyncset.done $0x0  }
0x59: {  	[sflag:s12] =	ssyncadd.s32 $0xFFFFEC40  }
0x5a: {  	_ =	sfence.sel $0x180000  }
0x5b: {  	[bflag:$0x0] =	sbarrier.arrive $0xFFFF  }
0x5c: {  	p0 =	sne.s32 s0, $0x0;
	_ =	strace $0x9000004A  }
0x5d: {  	s0 =	sadd.s32 @!p0 $0x100000, s2;
	[bflag:$0x2] =	sbarrier.arrive $0xFFFF  }
0x5e: {  	[sflag:s0] =	ssyncadd.tile.s32 @!p0 $0x1;
	_ =	shalt  }
.Lfunc_end2:
_tile_overlayer_lowered:
.L_overlay_start_2:
0x5f: {  	(tag) =	ssettag $0x2  }
0x60: {  	s0 =	rddreg [dreg:$0x0];
	s2 =	stileid.u32  }
0x61: {  	s1 =	rddreg [dreg:$0x1];
	p0 =	sne.s32 s2, $0x0  }
0x62: {  	s3 =	rddreg [dreg:$0x2];
	[bflag:$0x3] =	sbarrier.arrive $0xFFFF;
	s2 =	simm.s32 @!p0 $0x1C03  }
0x63: {  	[timem:s3], [sflag:s2] =	dma.local @!p0 [hbm:s0], s1  }
0x64: {  	s0 =	simm.s32 @!p0 $0x3  }
0x65: {  	_ =	swait.ge @!p0 [sflag:s0], s1  }
0x66: {  	s1 =	ssub.s32 @!p0 $0x0, s1;
	[sflag:s0] =	ssyncset.done @!p0 $0x0  }
0x67: {  	[sflag:s0] =	ssyncadd.s32 @!p0 s1  }
0x68: {  	[bflag:$0x3] =	sbarrier.arrive $0xFFFF  }
0x69: {  	_ =	shalt  }

// kernel: kernel.16.cloned.1.call-start
scs
__scs_entry_jumppad:
0x0: {  	(pc) =	sbr.rel $0x88, $3  }
0x1: {  	(tag) =	ssettag $0x0;
	lr =	simm.s32 $0x1  }
0x2: {  	[smem:$0x3F94] =	sst lr;
	_ =	strace $0xD0000000  }
0x3: {  	_ = 	snop  }
0x4: {  	_ = 	snop  }
0x5: {  	_ = 	snop  }
0x6: {  	_ = 	snop  }
0x7: {  	_ = 	snop  }
__scs_overlays_trampoline_lowered:
0x8: {  	[smem:$0x3FA3] =	sst s0  }
0x9: {  	[smem:$0x3FA4] =	sst s1  }
0xa: {  	[smem:$0x3FA5] =	sst s2  }
0xb: {  	[smem:$0x3FA6] =	sst s3  }
0xc: {  	[smem:$0x3FA7] =	sst s4  }
0xd: {  	[smem:$0x3FA8] =	sst s5  }
0xe: {  	[smem:$0x3FA9] =	sst s6  }
0xf: {  	[smem:$0x3FAA] =	sst s7  }
0x10: {  	[smem:$0x3FAB] =	sst s8  }
0x11: {  	[smem:$0x3FAC] =	sst s9;
	s0 =	simm.s32 @!p0 $0x0  }
0x12: {  	s1 =	sld [smem:$0x3F92];
	s0 =	simm.s32 @p0 $0x1  }
0x13: {  	[smem:$0x3FAD] =	sst s0;
	s0 =	simm.s32 @!p1 $0x0  }
0x14: {  	s2 =	sld [smem:$0x3F91];
	s0 =	simm.s32 @p1 $0x1  }
0x15: {  	[smem:$0x3FAE] =	sst s0;
	s0 =	simm.s32 @!p2 $0x0  }
0x16: {  	s3 =	sld [smem:$0x3FDB];
	s0 =	simm.s32 @p2 $0x1  }
0x17: {  	s4 =	simm.s32 $0x1BF5;
	[smem:$0x3FB0] =	sst s0  }
0x18: {  	s0 =	sld [smem:$0x3F93];
	_ =	swait.ge [sflag:s4], $0x0  }
0x19: {  	s7 =	sld [smem:$0x3F94]  }
0x1a: {  	s8 =	sadd.s32 $0xFFFFE003, lr  }
0x1b: {  	s9 =	sadd.s32 $0xFFFFFEF7, lr;
	s5 =	simm.s32 $0xFFFFFFFF;
	p2 =	slt.u32 s8, $0xFFFFF086  }
0x1c: {  	p1 =	slt.u32 s9, $0xF7A;
	s5 =	simm.s32 @!p2 $0x0  }
0x1d: {  	s5 =	simm.s32 @p1 $0x1;
	p0 =	seq.s32 s7, s2  }
0x1e: {  	s7 =	smul.u32 @!p0 $0xF7A, s2;
	p2 =	seq.s32 @!p0 s5, $0x0  }
0x1f: {  	s9 =	smul.u32 $0xF7A, s1;
	s8 =	simm.s32 @!p0 $0x1BF5;
	p2 =	por !p2, p0  }
0x20: {  	[sflag:s8] =	ssyncset.s32 @!p0 $0xFFFFF086;
	s6 =	sadd.s32 @!p0 s3, s7;
	s7 =	simm.s32 @!p0 $0x108  }
0x21: {  	s3 =	sadd.s32 s3, s9;
	s6 =	sadd.s32 @!p0 $0x88, s6;
	s7 =	simm.s32 @p2 $0x1082  }
0x22: {  	[simem:s7], [sflag:s8] =	dma.local @!p0 [hbm:s6], $0xF7A  }
0x23: {  	s9 =	sor.u32 $0xD0000000, s2;
	s6 =	simm.s32 $0x108;
	_ =	swait.ge @!p0 [sflag:s8], $0x0  }
0x24: {  	s3 =	sadd.s32 $0x88, s3;
	s6 =	simm.s32 @!p1 $0x1082;
	[sflag:s4] =	ssyncset.s32 $0xFFFFF086  }
0x25: {  	[simem:s6], [sflag:s4] =	dma.local [hbm:s3], $0xF7A  }
0x26: {  	[smem:$0x3F94] =	sst s1;
	(tag) =	ssettag s2;
	_ =	strace s9  }
0x27: {  	s1 =	sld [smem:$0x3FA4]  }
0x28: {  	s2 =	sld [smem:$0x3FA5]  }
0x29: {  	s4 =	sld [smem:$0x3FA7]  }
0x2a: {  	p0 =	seq.s32 s5, $0x0;
	s5 =	sld [smem:$0x3FA8]  }
0x2b: {  	s6 =	sld [smem:$0x3FA9]  }
0x2c: {  	s7 =	sld [smem:$0x3FAA]  }
0x2d: {  	s3 =	simm.s32 $0x108;
	s8 =	sld [smem:$0x3FAB]  }
0x2e: {  	s3 =	simm.s32 @!p0 $0x1082;
	s9 =	sld [smem:$0x3FAC]  }
0x2f: {  	lr =	sadd.s32 s0, s3;
	s0 =	sld [smem:$0x3FA3]  }
0x30: {  	s3 =	sld [smem:$0x3FA6]  }
0x31: {  	[smem:$0x3FAF] =	sst s10  }
0x32: {  	s10 =	sld [smem:$0x3FAD];
	_ =	sdelay $0x3  }
0x33: {  	p0 =	seq.s32 s10, $0x1;
	s10 =	sld [smem:$0x3FAF];
	_ =	sdelay $0x3  }
0x34: {  	[smem:$0x3FAF] =	sst s10  }
0x35: {  	s10 =	sld [smem:$0x3FAE];
	_ =	sdelay $0x3  }
0x36: {  	p1 =	seq.s32 s10, $0x1;
	s10 =	sld [smem:$0x3FAF];
	_ =	sdelay $0x3  }
0x37: {  	[smem:$0x3FAF] =	sst s10  }
0x38: {  	s10 =	sld [smem:$0x3FB0]  }
0x39: {  	_ = 	snop;
	(pc) =	sbr.ind lr, $3  }
0x3a: {  	_ = 	snop  }
0x3b: {  	_ = 	snop  }
0x3c: {  	p2 =	seq.s32 s10, $0x1;
	s10 =	sld [smem:$0x3FAF]  }
0x3d: {  	_ =	shalt  }
0x3e: {  	_ =	shalt  }
0x3f: {  	_ =	shalt  }
0x40: {  	_ =	shalt  }
0x41: {  	_ =	shalt  }
0x42: {  	_ =	shalt  }
0x43: {  	_ =	shalt  }
0x44: {  	_ =	shalt  }
0x45: {  	_ =	shalt  }
0x46: {  	_ =	shalt  }
0x47: {  	_ =	shalt  }
0x48: {  	_ =	shalt  }
0x49: {  	_ =	shalt  }
0x4a: {  	_ =	shalt  }
0x4b: {  	_ =	shalt  }
0x4c: {  	_ =	shalt  }
0x4d: {  	_ =	shalt  }
0x4e: {  	_ =	shalt  }
0x4f: {  	_ =	shalt  }
0x50: {  	_ =	shalt  }
0x51: {  	_ =	shalt  }
0x52: {  	_ =	shalt  }
0x53: {  	_ =	shalt  }
0x54: {  	_ =	shalt  }
0x55: {  	_ =	shalt  }
0x56: {  	_ =	shalt  }
0x57: {  	_ =	shalt  }
0x58: {  	_ =	shalt  }
0x59: {  	_ =	shalt  }
0x5a: {  	_ =	shalt  }
0x5b: {  	_ =	shalt  }
0x5c: {  	_ =	shalt  }
0x5d: {  	_ =	shalt  }
0x5e: {  	_ =	shalt  }
0x5f: {  	_ =	shalt  }
0x60: {  	_ =	shalt  }
0x61: {  	_ =	shalt  }
0x62: {  	_ =	shalt  }
0x63: {  	_ =	shalt  }
0x64: {  	_ =	shalt  }
0x65: {  	_ =	shalt  }
0x66: {  	_ =	shalt  }
0x67: {  	_ =	shalt  }
0x68: {  	_ =	shalt  }
0x69: {  	_ =	shalt  }
0x6a: {  	_ =	shalt  }
0x6b: {  	_ =	shalt  }
0x6c: {  	_ =	shalt  }
0x6d: {  	_ =	shalt  }
0x6e: {  	_ =	shalt  }
0x6f: {  	_ =	shalt  }
0x70: {  	_ =	shalt  }
0x71: {  	_ =	shalt  }
0x72: {  	_ =	shalt  }
0x73: {  	_ =	shalt  }
0x74: {  	_ =	shalt  }
0x75: {  	_ =	shalt  }
0x76: {  	_ =	shalt  }
0x77: {  	_ =	shalt  }
0x78: {  	_ =	shalt  }
0x79: {  	_ =	shalt  }
0x7a: {  	_ =	shalt  }
0x7b: {  	_ =	shalt  }
0x7c: {  	_ =	shalt  }
0x7d: {  	_ =	shalt  }
0x7e: {  	_ =	shalt  }
0x7f: {  	_ =	shalt  }
0x80: {  	_ =	shalt  }
0x81: {  	_ =	shalt  }
0x82: {  	_ =	shalt  }
0x83: {  	_ =	shalt  }
0x84: {  	_ =	shalt  }
0x85: {  	_ =	shalt  }
0x86: {  	_ =	shalt  }
0x87: {  	_ =	shalt  }
.Lfunc_end0:
.L_simem_size_0:
called_computation.2_lowered:
.L_overlay_start_0:
0x88: {  	s2 =	sld [smem:$0x3FD9]  }
0x89: {  	s3 =	sld [smem:$0x3FFE];
	_ =	sdelay $0x1  }
0x8a: {  	s1 =	srdreg.scid  }
0x8b: {  	s0 =	sand.u32 $0x1, s1  }
0x8c: {  	s14 =	sshll.u32 s0, $0xA;
	s2 =	sadd.s32 s3, s2  }
0x8d: {  	s2 =	sadd.s32 s2, s14  }
0x8e: {  	[smem:$0x3FBB] =	sst s2  }
0x8f: {  	_ = 	snop  }
0x90: {  	s2 =	sld [smem:$0x3FD0];
	_ =	sdelay $0x2  }
0x91: {  	s15 =	simm.s32 $0xA;
	s4 =	simm.s32 $0x10  }
0x92: {  	[smem:s4], [sflag:s15] =	dma.local [hbm:s2], $0x1  }
0x93: {  	_ =	swait.eq [sflag:s15], $0x1  }
0x94: {  	[sflag:s15] =	ssyncset.done $0x0  }
0x95: {  	[sflag:s15] =	ssyncadd.s32 $0xFFFFFFFF  }
0x96: {  	s16 =	sld [smem:$0x11];
	(tm) =	ssettm $0x1  }
0x97: {  	s17 =	sld [smem:$0x3FFB];
	_ =	sdelay $0x3  }
0x98: {  	_ =	strace s17  }
0x99: {  	s3 =	sld [smem:$0x3FFC];
	_ =	sdelay $0x3  }
0x9a: {  	_ =	strace s3  }
0x9b: {  	s3 =	sld [smem:$0x3FFD];
	_ =	sdelay $0x3  }
0x9c: {  	_ =	strace s3  }
0x9d: {  	_ =	strace $0x8FFFFFFF  }
0x9e: {  	s18 =	sld [smem:$0x3FDB];
	_ =	sdelay $0x1  }
0x9f: {  	s19 =	simm.s32 $_scs_section_size  }
0xa0: {  	s5 =	simm.s32 $_size__tile_overlayer_lowered;
	s6 =	simm.s32 $_tile_overlayer_lowered  }
0xa1: {  	s22 =	simm.s32 $0x1BFF;
	s21 =	sshll.u32 s6, $0x1;
	s3 =	sadd.s32 s19, s18  }
0xa2: {  	s7 =	simm.s32 $0x0;
	s20 =	sshll.u32 s5, $0x1;
	s5 =	sadd.s32 s21, s3  }
0xa3: {  	[timem:s7], [sflag:s22] =	dma.local [hbm:s5], s20  }
0xa4: {  	_ =	swait.ge [sflag:s22], s20  }
0xa5: {  	s4 =	ssub.s32 $0x0, s20;
	[sflag:s22] =	ssyncset.done $0x0  }
0xa6: {  	[sflag:s22] =	ssyncadd.s32 s4;
	_ =	sdelay $0x1  }
0xa7: {  	s23 =	simm.s32 $0x1B8B  }
0xa8: {  	_ =	swait.ge [sflag:s23], $0x1  }
0xa9: {  	[sflag:s23] =	ssyncset.done $0x0  }
0xaa: {  	s25 =	simm.s32 $0x1B8E;
	s24 =	sld [smem:$0x3FFE];
	[sflag:s23] =	ssyncadd.s32 $0xFFFFFFFF  }
0xab: {  	s26 =	simm.s32 $execute0_lowered;
	[smem:$0x3FD2] =	sst s25  }
0xac: {  	s5 =	sshll.u32 s26, $0x1;
	_ =	strace $0x8000004C;
	[dreg:$0x1] =	wrdreg $0xFFFFFFFF  }
0xad: {  	s28 =	simm.s32 $_size_execute0_lowered;
	s3 =	sadd.s32 s3, s5;
	[dreg:$0x0] =	wrdreg $0x0  }
0xae: {  	s5 =	sshll.u32 s28, $0x1;
	[dreg:$0x2] =	wrdreg s3  }
0xaf: {  	[dreg:$0x3] =	wrdreg s5  }
0xb0: {  	[dreg:$0x4] =	wrdreg $0xC0  }
0xb1: {  	_ =	task [dreg:s7], $0x5FFFF  }
0xb2: {  	[dreg:$0x1] =	wrdreg $0xFFFFFFFF  }
0xb3: {  	[dreg:$0x0] =	wrdreg $0x60  }
0xb4: {  	[dreg:$0x2] =	wrdreg s16  }
0xb5: {  	[dreg:$0x3] =	wrdreg s24  }
0xb6: {  	[dreg:$0x4] =	wrdreg $0x90000  }
0xb7: {  	[dreg:$0x5] =	wrdreg $0x9  }
0xb8: {  	_ =	task.clear_ibuf [dreg:s7], $0x6FFFF;
	_ =	strace $0x9000004C  }
0xb9: {  	s29 =	simm.s32 $0x9;
	_ =	strace $0x8000004E  }
0xba: {  	_ =	swait.ge [sflag:s29], $0x1  }
0xbb: {  	[sflag:s29] =	ssyncadd.s32 $0xFFFFFFFF  }
0xbc: {  	_ =	strace $0x9000004E  }
0xbd: {  	_ =	sfence  }
0xbe: {  	s30 =	sld [smem:$0x0];
	_ =	sdelay $0x2  }
0xbf: {  	s31 =	sshll.u32 s1, $0xD;
	s1 =	sshrl.u32 s1, $0x2  }
0xc0: {  	s3 =	sand.u32 $0x4000, s31;
	s1 =	sadd.s32 s1, s30  }
0xc1: {  	s0 =	sor.u32 s3, s0;
	s1 =	sshll.u32 s1, $0x11  }
0xc2: {  	s0 =	sor.u32 s1, s0  }
0xc3: {  	s0 =	sadd.s32 $0x8F2B, s0  }
0xc4: {  	[sflag:s0] =	ssyncadd.remote.s32 $0x1  }
0xc5: {  	_ =	sfence.sel $0xFFFF  }
0xc6: {  	[dreg:$0x0] =	wrdreg $0xFFFFFFFF;
	(pc) =	sbr.abs _section_cstart, $3  }
0xc7: {  	[dreg:$0x1] =	wrdreg $0xFFFFFFFF  }
0xc8: {  	_ =	task.clear_ibuf [dreg:s7], $0x2FFFF;
	_ =	strace $0x9FFFFFFF  }
0xc9: {  	(tm) =	ssettm $0x7FFFFFFF  }
tec
execute0_lowered:
.L_overlay_start_1:
0x0: {  	(tag) =	ssettag $0x1  }
0x1: {  	s2 =	srdreg.scid;
	s1 =	rddreg [dreg:$0x0]  }
0x2: {  	s0 =	stileid.u32;
	s6 =	rddreg [dreg:$0x1]  }
0x3: {  	s3 =	rddreg [dreg:$0x2];
	s4 =	simm.s32 $0x0;
	s13 =	simm.s32 $0x2800  }
0x4: {  	s14 =	simm.s32 $0x80;
	s15 =	simm.s32 $0x5000;
	s16 =	simm.s32 $0x7000  }
0x5: {  	s17 =	simm.s32 $0x1;
	s18 =	simm.s32 $0x2;
	s19 =	simm.s32 $0x4F00  }
0x6: {  	s20 =	simm.s32 $0x4F80;
	s21 =	simm.s32 $0x0;
	s5 =	sand.u32 $0x1, s2  }
0x7: {  	s29 =	sshll.u32 s0, $0x1;
	s8 =	smul.u32 $0x9E00, s0;
	[smem:$0x7FF] =	sst s4  }
0x8: {  	s31 =	sshll.u32 s0, $0x6;
	s2 =	sor.u32 s5, s29;
	s9 =	smul.u32 $0x9E000, s5  }
0x9: {  	s5 =	ssub.s32 $0x2, s5;
	s7 =	smul.u32 $0x500, s2;
	s2 =	rddreg [dreg:$0x3]  }
0xa: {  	_ =	strace $0x8000004D;
	s30 =	sshrl.u32 s8, $0x3;
	s11 =	sshrl.u32 s5, $0x1  }
0xb: {  	s12 =	sadd.s32 s8, s3;
	s9 =	sadd.s32 s8, s9;
	s11 =	ssub.s32 s5, s11  }
0xc: {  	s10 =	sadd.s32 s7, s6;
	s7 =	sadd.s32 s30, s6;
	s9 =	sshrl.u32 s9, $0x3  }
0xd: {  	s9 =	sadd.s32 s9, s6;
	s5 =	sadd.s32 $0x16000, s7;
	s6 =	sor.u32 $0x1C03, s31  }
0xe: {  	s7 =	sadd.s32 $0xC000, s10;
	s8 =	sadd.s32 $0x2000, s10;
	s10 =	smax.u32 s11, $0x1  }
0xf: {  	s11 =	sshrl.u32 s12, $0x3;
	s12 =	simm.s32 $0x3;
	s9 =	sadd.s32 $0x29C00, s9  }
.LBB2_1:
0x10: {  	[spmem:s11], [sflag:s6] =	dma.local [hbm:s5], $0x13C0  }
0x11: {  	_ =	swait.ge [sflag:s12], $0x13C0  }
0x12: {  	[sflag:s12] =	ssyncset.done $0x0  }
0x13: {  	[sflag:s12] =	ssyncadd.s32 $0xFFFFEC40  }
0x14: {  	[tilespmem:s4], [sflag:$0x3] =	stream.linear.gather [hbm4b:s7+s4], $0x2800, $0x38;
	[tilespmem:$0x12E00] =	vst v63  }
0x15: {  	_ =	swait.ge [sflag:s12], $0x2800  }
0x16: {  	[sflag:s12] =	ssyncset.done $0x0  }
0x17: {  	[sflag:s12] =	ssyncadd.s32 $0xFFFFD800  }
0x18: {  	[tilespmem:s13], [sflag:$0x3] =	stream.linear.gather [hbm4b:s8+s4], $0x2800, $0x38;
	[tilespmem:$0x12E00] =	vst v63  }
0x19: {  	_ =	swait.ge [sflag:s12], $0x2800  }
0x1a: {  	[sflag:s12] =	ssyncset.done $0x0  }
0x1b: {  	[sflag:s12] =	ssyncadd.s32 $0xFFFFD800  }
0x1c: {  	[bflag:$0x0] =	sbarrier.arrive $0xFFFF  }
0x1d: {  	[tilespmem:s15], [sflag:$0x1] =	stream.indirect.gather [hbm4b:s1+s14], $0x40, s4, s14, $0xb8;
	[tilespmem:$0x12E00] =	vst v63  }
0x1e: {  	_ = 	snop  }
0x1f: {  	[tilespmem:s16], [sflag:$0x2] =	stream.indirect.gather [hbm4b:s1+s14], $0x40, s14, s14, $0xb8;
	[tilespmem:$0x12E00] =	vst v63  }
0x20: {  	_ =	swait.ge [sflag:s17], $0x2000  }
0x21: {  	[sflag:s17] =	ssyncset.done $0x0  }
0x22: {  	s22 =	simm.s32 $0x100;
	[sflag:s17] =	ssyncadd.s32 $0xFFFFE000  }
0x23: {  	[tilespmem:s15], [sflag:$0x1] =	stream.indirect.gather [hbm4b:s1+s14], $0x40, s22, s14, $0xb8;
	[tilespmem:$0x12E00] =	vst v63  }
0x24: {  	s29 =	simm.s32 $0x2800  }
0x25: {  	[spmem:s3] =	stream.indirect.scatter.add.f32 [tilespmem:s15], [sflag:$0x3], $0x40, s29, s14, $0xb8;
	[tilespmem:$0x12E00] =	vst v63  }
0x26: {  	_ =	swait.ge [sflag:s12], $0x2000  }
0x27: {  	[sflag:s12] =	ssyncset.done $0x0  }
0x28: {  	[sflag:s12] =	ssyncadd.s32 $0xFFFFE000  }
0x29: {  	_ =	swait.ge [sflag:s18], $0x2000  }
0x2a: {  	[sflag:s18] =	ssyncset.done $0x0  }
0x2b: {  	s30 =	simm.s32 $0x180;
	[sflag:s18] =	ssyncadd.s32 $0xFFFFE000  }
0x2c: {  	[tilespmem:s16], [sflag:$0x2] =	stream.indirect.gather [hbm4b:s1+s14], $0x40, s30, s14, $0xb8;
	[tilespmem:$0x12E00] =	vst v63  }
0x2d: {  	s31 =	simm.s32 $0x2880  }
0x2e: {  	[spmem:s3] =	stream.indirect.scatter.add.f32 [tilespmem:s16], [sflag:$0x3], $0x40, s31, s14, $0xb8;
	[tilespmem:$0x12E00] =	vst v63  }
0x2f: {  	_ =	swait.ge [sflag:s12], $0x2000  }
0x30: {  	s22 =	simm.s32 $0x400;
	[sflag:s12] =	ssyncset.done $0x0  }
.LBB2_2:
0x31: {  	p0 =	sne.s32 s22, $0x9800  }
0x32: {  	[sflag:s12] =	ssyncadd.s32 $0xFFFFE000;
	s23 =	smov.u32 s22;
	s22 =	sadd.s32 $0x400, s22  }
0x33: {  	_ = 	snop  }
0x34: {  	_ =	swait.ge [sflag:s17], $0x2000  }
0x35: {  	s23 =	sshra.s32 s23, $0x2;
	[sflag:s17] =	ssyncset.done $0x0  }
0x36: {  	s24 =	sadd.s32 $0x100, s23;
	[sflag:s17] =	ssyncadd.s32 $0xFFFFE000  }
0x37: {  	[tilespmem:s15], [sflag:$0x1] =	stream.indirect.gather [hbm4b:s1+s14], $0x40, s24, s14, $0xb8;
	[tilespmem:$0x12E00] =	vst v63  }
0x38: {  	s24 =	sadd.s32 $0x2800, s23  }
0x39: {  	[spmem:s3] =	stream.indirect.scatter.add.f32 [tilespmem:s15], [sflag:$0x3], $0x40, s24, s14, $0xb8;
	[tilespmem:$0x12E00] =	vst v63  }
0x3a: {  	_ =	swait.ge [sflag:s12], $0x2000  }
0x3b: {  	[sflag:s12] =	ssyncset.done $0x0  }
0x3c: {  	[sflag:s12] =	ssyncadd.s32 $0xFFFFE000  }
0x3d: {  	_ =	swait.ge [sflag:s18], $0x2000  }
0x3e: {  	[sflag:s18] =	ssyncset.done $0x0  }
0x3f: {  	s24 =	sadd.s32 $0x180, s23;
	[sflag:s18] =	ssyncadd.s32 $0xFFFFE000  }
0x40: {  	[tilespmem:s16], [sflag:$0x2] =	stream.indirect.gather [hbm4b:s1+s14], $0x40, s24, s14, $0xb8;
	[tilespmem:$0x12E00] =	vst v63  }
.Ltmp0:
0x41: {  	_ = 	snop;
	(pc) =	sbr.rel @p0 .LBB2_2-.Ltmp0, $4  }
0x42: {  	s23 =	sadd.s32 $0x2880, s23  }
0x43: {  	[spmem:s3] =	stream.indirect.scatter.add.f32 [tilespmem:s16], [sflag:$0x3], $0x40, s23, s14, $0xb8;
	[tilespmem:$0x12E00] =	vst v63  }
0x44: {  	_ =	swait.ge [sflag:s12], $0x2000  }
0x45: {  	[sflag:s12] =	ssyncset.done $0x0  }
0x46: {  	[sflag:s12] =	ssyncadd.s32 $0xFFFFE000  }
0x47: {  	_ =	swait.ge [sflag:s17], $0x2000  }
0x48: {  	[sflag:s17] =	ssyncset.done $0x0  }
0x49: {  	[sflag:s17] =	ssyncadd.s32 $0xFFFFE000  }
0x4a: {  	[spmem:s3] =	stream.indirect.scatter.add.f32 [tilespmem:s15], [sflag:$0x3], $0x40, s19, s14, $0xb8;
	[tilespmem:$0x12E00] =	vst v63  }
0x4b: {  	_ =	swait.ge [sflag:s12], $0x2000  }
0x4c: {  	[sflag:s12] =	ssyncset.done $0x0  }
0x4d: {  	[sflag:s12] =	ssyncadd.s32 $0xFFFFE000  }
0x4e: {  	_ =	swait.ge [sflag:s18], $0x2000  }
0x4f: {  	[sflag:s18] =	ssyncset.done $0x0  }
0x50: {  	[sflag:s18] =	ssyncadd.s32 $0xFFFFE000  }
0x51: {  	[spmem:s3] =	stream.indirect.scatter.add.f32 [tilespmem:s16], [sflag:$0x3], $0x40, s20, s14, $0xb8;
	[tilespmem:$0x12E00] =	vst v63  }
0x52: {  	_ =	swait.ge [sflag:s12], $0x2000  }
0x53: {  	s21 =	sadd.s32 $0x1, s21;
	[sflag:s12] =	ssyncset.done $0x0  }
0x54: {  	p0 =	sne.s32 s21, s10;
	[sflag:s12] =	ssyncadd.s32 $0xFFFFE000  }
.Ltmp1:
0x55: {  	[bflag:$0x0] =	sbarrier.arrive $0xFFFF;
	(pc) =	sbr.rel @p0 .LBB2_1-.Ltmp1, $4  }
0x56: {  	[hbm:s9], [sflag:s6] =	dma.local [spmem:s11], $0x13C0  }
0x57: {  	_ =	swait.ge [sflag:s12], $0x13C0  }
0x58: {  	[sflag:s12] =	ssyncset.done $0x0  }
0x59: {  	[sflag:s12] =	ssyncadd.s32 $0xFFFFEC40  }
0x5a: {  	_ =	sfence.sel $0x180000  }
0x5b: {  	[bflag:$0x0] =	sbarrier.arrive $0xFFFF  }
0x5c: {  	p0 =	sne.s32 s0, $0x0;
	_ =	strace $0x9000004D  }
0x5d: {  	s0 =	sadd.s32 @!p0 $0x100000, s2;
	[bflag:$0x2] =	sbarrier.arrive $0xFFFF  }
0x5e: {  	[sflag:s0] =	ssyncadd.tile.s32 @!p0 $0x1;
	_ =	shalt  }
.Lfunc_end2:
_tile_overlayer_lowered:
.L_overlay_start_2:
0x5f: {  	(tag) =	ssettag $0x2  }
0x60: {  	s0 =	rddreg [dreg:$0x0];
	s2 =	stileid.u32  }
0x61: {  	s1 =	rddreg [dreg:$0x1];
	p0 =	sne.s32 s2, $0x0  }
0x62: {  	s3 =	rddreg [dreg:$0x2];
	[bflag:$0x3] =	sbarrier.arrive $0xFFFF;
	s2 =	simm.s32 @!p0 $0x1C03  }
0x63: {  	[timem:s3], [sflag:s2] =	dma.local @!p0 [hbm:s0], s1  }
0x64: {  	s0 =	simm.s32 @!p0 $0x3  }
0x65: {  	_ =	swait.ge @!p0 [sflag:s0], s1  }
0x66: {  	s1 =	ssub.s32 @!p0 $0x0, s1;
	[sflag:s0] =	ssyncset.done @!p0 $0x0  }
0x67: {  	[sflag:s0] =	ssyncadd.s32 @!p0 s1  }
0x68: {  	[bflag:$0x3] =	sbarrier.arrive $0xFFFF  }
0x69: {  	_ =	shalt  }

</sc_bundles>
